<compile_context>
chip_gen: v7x
topology: tpu7x:2x2x1
jax: 0.10.2.dev20260603
libtpu: 0.0.44.dev20260713+nightly
codegen_flags: <defaults>
</compile_context>

<pallas_src>
import functools

import jax
import jax.numpy as jnp
from jax import lax
from jax.experimental import pallas as pl
from jax.experimental.pallas import tpu as pltpu
from jax.experimental.pallas import tpu_sc as plsc

BATCH = 4096
INPUT_DIM = 256
HIDDEN_DIM = 512
EMB_DIM = 32
NUM_EMB = 8192
EPS = 1e-5

VQ_ROWS = 512
VQ_CODES = 1024
N_BB = BATCH // VQ_ROWS
N_CC = NUM_EMB // VQ_CODES


def _bn_relu(h, g, be):
    mean = jnp.mean(h, axis=0, keepdims=True)
    var = jnp.mean((h - mean) ** 2, axis=0, keepdims=True)
    return jnp.maximum(g * (h - mean) / jnp.sqrt(var + EPS) + be, 0.0)


def _mm_t(a, w):
    return lax.dot_general(a, w, (((1,), (1,)), ((), ())),
                           preferred_element_type=jnp.float32)


def _enc_body(x_ref, w1_ref, b1_ref, g1_ref, be1_ref,
              w2_ref, b2_ref, g2_ref, be2_ref,
              w3_ref, b3_ref, cb_ref, z_ref, cn_ref):
    h = _mm_t(x_ref[...], w1_ref[...]) + b1_ref[...]
    h = _bn_relu(h, g1_ref[...], be1_ref[...])
    h = _mm_t(h, w2_ref[...]) + b2_ref[...]
    h = _bn_relu(h, g2_ref[...], be2_ref[...])
    z_ref[...] = _mm_t(h, w3_ref[...]) + b3_ref[...]

    for cc in range(N_CC):
        cbc = cb_ref[pl.ds(cc * VQ_CODES, VQ_CODES), :]
        cn_ref[pl.ds(cc, 1), :] = jnp.sum(cbc * cbc, axis=1)[None, :]


def _vq_body(z_ref, cb_ref, cn_ref, idxq_ref, idxr_ref):
    zb = z_ref[...]
    znorm = jnp.sum(zb * zb, axis=1, keepdims=True)
    zb2 = zb + zb

    best = jnp.full((VQ_ROWS, 1), jnp.inf, jnp.float32)
    besti = jnp.zeros((VQ_ROWS, 1), jnp.int32)
    for cc in range(N_CC):
        cbc = cb_ref[pl.ds(cc * VQ_CODES, VQ_CODES), :]
        cnorm = cn_ref[pl.ds(cc, 1), :]
        d = (znorm + cnorm) - _mm_t(zb2, cbc)
        m = jnp.min(d, axis=1, keepdims=True)
        col = lax.broadcasted_iota(jnp.int32, d.shape, 1) + cc * VQ_CODES
        im = jnp.min(jnp.where(d == m, col, jnp.int32(2**30)),
                     axis=1, keepdims=True)
        upd = m < best
        best = jnp.where(upd, m, best)
        besti = jnp.where(upd, im, besti)
    idxq_ref[...] = besti >> 2
    idxr_ref[...] = besti & 3


def _mm_t_bf16(a, w):
    return lax.dot_general(a.astype(jnp.bfloat16), w.astype(jnp.bfloat16),
                           (((1,), (1,)), ((), ())),
                           preferred_element_type=jnp.float32)


def _dec_body(rows_ref, idxr_ref, w1_ref, b1_ref, g1_ref, be1_ref,
              w2_ref, b2_ref, g2_ref, be2_ref,
              w3_ref, b3_ref, out_ref, zq_ref):
    rows = rows_ref[...]
    r = idxr_ref[...]
    zq = rows[:, 0:EMB_DIM]
    for k in range(1, 4):
        zq = jnp.where(r == k, rows[:, k * EMB_DIM:(k + 1) * EMB_DIM], zq)
    zq_ref[...] = zq
    h = _mm_t_bf16(zq, w1_ref[...]) + b1_ref[...]
    h = _bn_relu(h, g1_ref[...], be1_ref[...])
    h = _mm_t_bf16(h, w2_ref[...]) + b2_ref[...]
    h = _bn_relu(h, g2_ref[...], be2_ref[...])
    out_ref[...] = _mm_t_bf16(h, w3_ref[...]) + b3_ref[...]


@functools.lru_cache(maxsize=1)
def _make_sc_gather():
    info = plsc.get_sparse_core_info()
    nc, ns = info.num_cores, info.num_subcores
    nw = nc * ns
    b_per_w = BATCH // nw
    mesh = plsc.VectorSubcoreMesh(core_axis_name="c", subcore_axis_name="s")

    @functools.partial(
        pl.kernel, mesh=mesh,
        out_type=jax.ShapeDtypeStruct((BATCH, 128), jnp.float32),
        scratch_types=[
            pltpu.VMEM((b_per_w,), jnp.int32),
            pltpu.VMEM((b_per_w, 128), jnp.float32),
            pltpu.SemaphoreType.DMA,
        ],
    )
    def gather(cb_hbm, idx_hbm, out_hbm, idx_v, rows_v, sem):
        wid = lax.axis_index("s") * nc + lax.axis_index("c")
        base = wid * b_per_w
        pltpu.sync_copy(idx_hbm.at[pl.ds(base, b_per_w)], idx_v)
        pltpu.async_copy(cb_hbm.at[idx_v], rows_v, sem).wait()
        pltpu.sync_copy(rows_v, out_hbm.at[pl.ds(base, b_per_w)])

    return gather


def kernel(x, params):
    enc = params["enc"]
    dec = params["dec"]
    cb = params["codebook"]

    z, cn = pl.pallas_call(
        _enc_body,
        out_shape=(
            jax.ShapeDtypeStruct((BATCH, EMB_DIM), jnp.float32),
            jax.ShapeDtypeStruct((N_CC, VQ_CODES), jnp.float32),
        ),
    )(x, enc["W1"], enc["b1"].reshape(1, -1), enc["g1"].reshape(1, -1),
      enc["be1"].reshape(1, -1), enc["W2"], enc["b2"].reshape(1, -1),
      enc["g2"].reshape(1, -1), enc["be2"].reshape(1, -1), enc["W3"],
      enc["b3"].reshape(1, -1), cb)

    idxq, idxr = pl.pallas_call(
        _vq_body,
        grid=(N_BB,),
        in_specs=[
            pl.BlockSpec((VQ_ROWS, EMB_DIM), lambda b: (b, 0)),
            pl.BlockSpec((NUM_EMB, EMB_DIM), lambda b: (0, 0)),
            pl.BlockSpec((N_CC, VQ_CODES), lambda b: (0, 0)),
        ],
        out_specs=[
            pl.BlockSpec((VQ_ROWS, 1), lambda b: (b, 0)),
            pl.BlockSpec((VQ_ROWS, 1), lambda b: (b, 0)),
        ],
        out_shape=(
            jax.ShapeDtypeStruct((BATCH, 1), jnp.int32),
            jax.ShapeDtypeStruct((BATCH, 1), jnp.int32),
        ),
        compiler_params=pltpu.CompilerParams(
            dimension_semantics=("arbitrary",)),
    )(z, cb, cn)

    cb128 = cb.reshape(NUM_EMB // 4, 128)
    rows = _make_sc_gather()(cb128, idxq.reshape(-1))

    x_recon, zq = pl.pallas_call(
        _dec_body,
        out_shape=(
            jax.ShapeDtypeStruct((BATCH, INPUT_DIM), jnp.float32),
            jax.ShapeDtypeStruct((BATCH, EMB_DIM), jnp.float32),
        ),
    )(rows, idxr, dec["W1"], dec["b1"].reshape(1, -1), dec["g1"].reshape(1, -1),
      dec["be1"].reshape(1, -1), dec["W2"], dec["b2"].reshape(1, -1),
      dec["g2"].reshape(1, -1), dec["be2"].reshape(1, -1), dec["W3"],
      dec["b3"].reshape(1, -1))

    return (x_recon, z, zq)

# --- scband reference (transcript-rebuilt; emitter-appended) ---
"""Pipeline reference for scband-vqvae-55920474194575 (READ-ONLY COPY).

The authoritative reference and input builder live on the scoring server;
editing this copy changes nothing except your own understanding.
"""

import jax, jax.numpy as jnp
import numpy as np

INPUT_DIM = 256
HIDDEN_DIM = 512
EMB_DIM = 32
NUM_EMB = 8192
BATCH = 4096


def _linear_params(key, fan_in, fan_out):
    lim = 1.0 / np.sqrt(fan_in)
    kw, kb = jax.random.split(key)
    W = jax.random.uniform(kw, (fan_out, fan_in), minval=-lim, maxval=lim, dtype=jnp.float32)
    b = jax.random.uniform(kb, (fan_out,), minval=-lim, maxval=lim, dtype=jnp.float32)
    return W, b


def _mlp_params(key, in_dim, hid, out_dim):
    k1, k2, k3 = jax.random.split(key, 3)
    W1, b1 = _linear_params(k1, in_dim, hid)
    W2, b2 = _linear_params(k2, hid, hid)
    W3, b3 = _linear_params(k3, hid, out_dim)
    return {
        "W1": W1, "b1": b1,
        "g1": jnp.ones((hid,), jnp.float32), "be1": jnp.zeros((hid,), jnp.float32),
        "W2": W2, "b2": b2,
        "g2": jnp.ones((hid,), jnp.float32), "be2": jnp.zeros((hid,), jnp.float32),
        "W3": W3, "b3": b3,
    }


def setup_inputs(seed: int = 0) -> dict:
    key = jax.random.key(seed)
    kx, kenc, kdec, kcb = jax.random.split(key, 4)
    x = jax.random.normal(kx, (BATCH, INPUT_DIM), dtype=jnp.float32)
    params = {
        "enc": _mlp_params(kenc, INPUT_DIM, HIDDEN_DIM, EMB_DIM),
        "dec": _mlp_params(kdec, EMB_DIM, HIDDEN_DIM, INPUT_DIM),
        "codebook": jax.random.uniform(kcb, (NUM_EMB, EMB_DIM), minval=-1.0 / NUM_EMB, maxval=1.0 / NUM_EMB, dtype=jnp.float32),
    }
    return {"x": x, "params": params}


def _batchnorm(h, g, b, eps=1e-5):
    # torch BatchNorm1d in training mode: normalize with batch statistics
    mean = jnp.mean(h, axis=0, keepdims=True)
    var = jnp.var(h, axis=0, keepdims=True)
    return g * (h - mean) / jnp.sqrt(var + eps) + b


def _mlp(x, p):
    h = x @ p["W1"].T + p["b1"]
    h = jax.nn.relu(_batchnorm(h, p["g1"], p["be1"]))
    # dropout is identity in deterministic reference
    h = h @ p["W2"].T + p["b2"]
    h = jax.nn.relu(_batchnorm(h, p["g2"], p["be2"]))
    return h @ p["W3"].T + p["b3"]


def _vq(z, codebook):
    d = jnp.sum(z * z, axis=1, keepdims=True) + jnp.sum(codebook * codebook, axis=1) - 2.0 * (z @ codebook.T)
    idx = jnp.argmin(d, axis=1)
    enc = jax.nn.one_hot(idx, codebook.shape[0], dtype=z.dtype)
    zq = enc @ codebook
    return zq, enc, idx


def reference(x, params):
    z = _mlp(x, params["enc"])
    zq, enc, idx = _vq(z, params["codebook"])
    x_recon = _mlp(zq, params["dec"])
    return (x_recon, z, zq)

if __name__ == "__main__":
    import jax
    _d = setup_inputs()
    print(jax.jit(kernel)(*tuple(_d.values())))

</pallas_src>

<mosaic_0001>
#map = affine_map<(d0, d1) -> (0, 0)>
#map1 = affine_map<(d0, d1) -> (0)>
module attributes {stable_mosaic.version = 14 : i64} {
  func.func @gather(%arg0: i32, %arg1: i32, %arg2: memref<2048x128xf32, #tpu.memory_space<hbm>>, %arg3: memref<4096xi32, #tpu.memory_space<hbm>>, %arg4: memref<4096x128xf32, #tpu.memory_space<hbm>>, %arg5: memref<128xi32, #tpu.memory_space<vmem>>, %arg6: memref<128x128xf32, #tpu.memory_space<vmem>>, %arg7: memref<!tpu.dma_semaphore, #tpu.memory_space<semaphore_mem>>) attributes {dimension_semantics = [#tpu.dimension_semantics<core_parallel>, #tpu.dimension_semantics<subcore_parallel>], iteration_bounds = array<i64: 2, 16>, scalar_prefetch = 0 : i64, scratch_operands = 3 : i64, tpu.core_type = #tpu.core_type<sc_vector_subcore>, window_params = [{transform_indices = #map}, {transform_indices = #map1}, {transform_indices = #map}]} {
    %mul3A = arith.constant 2 : i32
    %mul3A_0 = arith.muli %arg1, %mul3A : i32
    %add3A = arith.addi %mul3A_0, %arg0 : i32
    %mul3A_1 = arith.constant 128 : i32
    %mul3A_2 = arith.muli %add3A, %mul3A_1 : i32
    "tpu.region"() ({
      %run_scoped3A = tpu.sem_alloc : memref<!tpu.dma_semaphore, #tpu.memory_space<semaphore_mem>>
      %dma_start3A_7 = tpu.memref_slice %arg3[%mul3A_2] : memref<4096xi32, #tpu.memory_space<hbm>> -> memref<128xi32, #tpu.memory_space<hbm>>
      %dma_start3A_8 = tpu.memref_slice %arg3[%mul3A_2] : memref<4096xi32, #tpu.memory_space<hbm>> -> memref<128xi32, #tpu.memory_space<hbm>>
      tpu.enqueue_dma source(%dma_start3A_8 : memref<128xi32, #tpu.memory_space<hbm>>) target(%arg5 : memref<128xi32, #tpu.memory_space<vmem>>) target_semaphore(%run_scoped3A : memref<!tpu.dma_semaphore, #tpu.memory_space<semaphore_mem>>)
      %dma_wait3A_9 = tpu.memref_slice %arg3[%mul3A_2] : memref<4096xi32, #tpu.memory_space<hbm>> -> memref<128xi32, #tpu.memory_space<hbm>>
      %dma_wait3A_10 = tpu.memref_slice %arg3[%mul3A_2] : memref<4096xi32, #tpu.memory_space<hbm>> -> memref<128xi32, #tpu.memory_space<hbm>>
      tpu.wait_dma2 semaphore(%run_scoped3A : memref<!tpu.dma_semaphore, #tpu.memory_space<semaphore_mem>>) src(%dma_wait3A_10 : memref<128xi32, #tpu.memory_space<hbm>>) dst(%arg5 : memref<128xi32, #tpu.memory_space<vmem>>)
      tpu.yield
    }) : () -> ()
    %dma_start3A = arith.constant 0 : i32
    %dma_start3A_3 = arith.constant 0 : i32
    %dma_start3A_4 = tpu.memref_slice %arg2[%dma_start3A, %dma_start3A_3] : memref<2048x128xf32, #tpu.memory_space<hbm>> -> memref<2048x128xf32, #tpu.memory_space<hbm>>
    tpu.enqueue_indirect_dma source(%dma_start3A_4 : memref<2048x128xf32, #tpu.memory_space<hbm>>) target(%arg6 : memref<128x128xf32, #tpu.memory_space<vmem>>) offsets(%arg5 : memref<128xi32, #tpu.memory_space<vmem>>) semaphore(%arg7 : memref<!tpu.dma_semaphore, #tpu.memory_space<semaphore_mem>>)
    %dma_wait3A = arith.constant 0 : i32
    %dma_wait3A_5 = arith.constant 0 : i32
    %dma_wait3A_6 = tpu.memref_slice %arg2[%dma_wait3A, %dma_wait3A_5] : memref<2048x128xf32, #tpu.memory_space<hbm>> -> memref<2048x128xf32, #tpu.memory_space<hbm>>
    tpu.wait_indirect_dma semaphore(%arg7 : memref<!tpu.dma_semaphore, #tpu.memory_space<semaphore_mem>>) src(%dma_wait3A_6 : memref<2048x128xf32, #tpu.memory_space<hbm>>) dst(%arg6 : memref<128x128xf32, #tpu.memory_space<vmem>>)
    "tpu.region"() ({
      %run_scoped3A = tpu.sem_alloc : memref<!tpu.dma_semaphore, #tpu.memory_space<semaphore_mem>>
      %dma_start3A_7 = arith.constant 0 : i32
      %dma_start3A_8 = tpu.memref_slice %arg4[%mul3A_2, %dma_start3A_7] : memref<4096x128xf32, #tpu.memory_space<hbm>> -> memref<128x128xf32, #tpu.memory_space<hbm>>
      %dma_start3A_9 = arith.constant 0 : i32
      %dma_start3A_10 = tpu.memref_slice %arg4[%mul3A_2, %dma_start3A_9] : memref<4096x128xf32, #tpu.memory_space<hbm>> -> memref<128x128xf32, #tpu.memory_space<hbm>>
      tpu.enqueue_dma source(%arg6 : memref<128x128xf32, #tpu.memory_space<vmem>>) target(%dma_start3A_10 : memref<128x128xf32, #tpu.memory_space<hbm>>) target_semaphore(%run_scoped3A : memref<!tpu.dma_semaphore, #tpu.memory_space<semaphore_mem>>)
      %dma_wait3A_11 = arith.constant 0 : i32
      %dma_wait3A_12 = tpu.memref_slice %arg4[%mul3A_2, %dma_wait3A_11] : memref<4096x128xf32, #tpu.memory_space<hbm>> -> memref<128x128xf32, #tpu.memory_space<hbm>>
      %dma_wait3A_13 = arith.constant 0 : i32
      %dma_wait3A_14 = tpu.memref_slice %arg4[%mul3A_2, %dma_wait3A_13] : memref<4096x128xf32, #tpu.memory_space<hbm>> -> memref<128x128xf32, #tpu.memory_space<hbm>>
      tpu.wait_dma2 semaphore(%run_scoped3A : memref<!tpu.dma_semaphore, #tpu.memory_space<semaphore_mem>>) src(%arg6 : memref<128x128xf32, #tpu.memory_space<vmem>>) dst(%dma_wait3A_14 : memref<128x128xf32, #tpu.memory_space<hbm>>)
      tpu.yield
    }) : () -> ()
    return
  }
}

module attributes {stable_mosaic.version = 14 : i64} {
  func.func @_enc_body(%arg0: memref<4096x256xf32, #tpu.memory_space<vmem>>, %arg1: memref<512x256xf32, #tpu.memory_space<vmem>>, %arg2: memref<1x512xf32, #tpu.memory_space<vmem>>, %arg3: memref<1x512xf32, #tpu.memory_space<vmem>>, %arg4: memref<1x512xf32, #tpu.memory_space<vmem>>, %arg5: memref<512x512xf32, #tpu.memory_space<vmem>>, %arg6: memref<1x512xf32, #tpu.memory_space<vmem>>, %arg7: memref<1x512xf32, #tpu.memory_space<vmem>>, %arg8: memref<1x512xf32, #tpu.memory_space<vmem>>, %arg9: memref<32x512xf32, #tpu.memory_space<vmem>>, %arg10: memref<1x32xf32, #tpu.memory_space<vmem>>, %arg11: memref<8192x32xf32, #tpu.memory_space<vmem>>, %arg12: memref<4096x32xf32, #tpu.memory_space<vmem>>, %arg13: memref<8x1024xf32, #tpu.memory_space<vmem>>) attributes {dimension_semantics = [], scalar_prefetch = 0 : i64, scratch_operands = 0 : i64, tpu.core_type = #tpu.core_type<tc>} {
    %get3A = arith.constant 0 : index
    %get3A_0 = arith.constant 0 : index
    %get3A_1 = vector.load %arg0[%get3A, %get3A_0] : memref<4096x256xf32, #tpu.memory_space<vmem>>, vector<4096x256xf32>
    %get3A_2 = arith.constant 0 : index
    %get3A_3 = arith.constant 0 : index
    %get3A_4 = vector.load %arg1[%get3A_2, %get3A_3] : memref<512x256xf32, #tpu.memory_space<vmem>>, vector<512x256xf32>
    %dot_general3A = arith.constant dense<0.000000e+00> : vector<4096x512xf32>
    %dot_general3A_5 = tpu.matmul %get3A_1, %get3A_4, %dot_general3A {dimension_numbers = #tpu.dot_dimension_numbers<[1], [1], [0], [0], [0, 0, 1, 0], [], []>, transpose_lhs_hint = false} : vector<4096x256xf32>, vector<512x256xf32>, vector<4096x512xf32> -> vector<4096x512xf32>
    %get3A_6 = arith.constant 0 : index
    %get3A_7 = arith.constant 0 : index
    %get3A_8 = vector.load %arg2[%get3A_6, %get3A_7] : memref<1x512xf32, #tpu.memory_space<vmem>>, vector<1x512xf32>
    %add3A = vector.broadcast %get3A_8 : vector<1x512xf32> to vector<4096x512xf32>
    %add3A_9 = arith.addf %dot_general3A_5, %add3A : vector<4096x512xf32>
    %get3A_10 = arith.constant 0 : index
    %get3A_11 = arith.constant 0 : index
    %get3A_12 = vector.load %arg3[%get3A_10, %get3A_11] : memref<1x512xf32, #tpu.memory_space<vmem>>, vector<1x512xf32>
    %get3A_13 = arith.constant 0 : index
    %get3A_14 = arith.constant 0 : index
    %get3A_15 = vector.load %arg4[%get3A_13, %get3A_14] : memref<1x512xf32, #tpu.memory_space<vmem>>, vector<1x512xf32>
    %reduce_sum3A = arith.constant dense<0.000000e+00> : vector<512xf32>
    %reduce_sum3A_16 = vector.multi_reduction <add>, %add3A_9, %reduce_sum3A [0] : vector<4096x512xf32> to vector<512xf32>
    %broadcast_in_dim3A = vector.shape_cast %reduce_sum3A_16 : vector<512xf32> to vector<1x512xf32>
    %div3A = arith.constant 4.096000e+03 : f32
    %div3A_17 = vector.broadcast %div3A : f32 to vector<1x512xf32>
    %div3A_18 = arith.divf %broadcast_in_dim3A, %div3A_17 : vector<1x512xf32>
    %sub3A = vector.broadcast %div3A_18 : vector<1x512xf32> to vector<4096x512xf32>
    %sub3A_19 = arith.subf %add3A_9, %sub3A : vector<4096x512xf32>
    %integer_pow3A = arith.mulf %sub3A_19, %sub3A_19 : vector<4096x512xf32>
    %reduce_sum3A_20 = arith.constant dense<0.000000e+00> : vector<512xf32>
    %reduce_sum3A_21 = vector.multi_reduction <add>, %integer_pow3A, %reduce_sum3A_20 [0] : vector<4096x512xf32> to vector<512xf32>
    %broadcast_in_dim3A_22 = vector.shape_cast %reduce_sum3A_21 : vector<512xf32> to vector<1x512xf32>
    %div3A_23 = arith.constant 4.096000e+03 : f32
    %div3A_24 = vector.broadcast %div3A_23 : f32 to vector<1x512xf32>
    %div3A_25 = arith.divf %broadcast_in_dim3A_22, %div3A_24 : vector<1x512xf32>
    %sub3A_26 = vector.broadcast %div3A_18 : vector<1x512xf32> to vector<4096x512xf32>
    %sub3A_27 = arith.subf %add3A_9, %sub3A_26 : vector<4096x512xf32>
    %mul3A = vector.broadcast %get3A_12 : vector<1x512xf32> to vector<4096x512xf32>
    %mul3A_28 = arith.mulf %mul3A, %sub3A_27 : vector<4096x512xf32>
    %add3A_29 = arith.constant 9.99999974E-6 : f32
    %add3A_30 = vector.broadcast %add3A_29 : f32 to vector<1x512xf32>
    %add3A_31 = arith.addf %div3A_25, %add3A_30 : vector<1x512xf32>
    %sqrt3A = math.sqrt %add3A_31 : vector<1x512xf32>
    %div3A_32 = vector.broadcast %sqrt3A : vector<1x512xf32> to vector<4096x512xf32>
    %div3A_33 = arith.divf %mul3A_28, %div3A_32 : vector<4096x512xf32>
    %add3A_34 = vector.broadcast %get3A_15 : vector<1x512xf32> to vector<4096x512xf32>
    %add3A_35 = arith.addf %div3A_33, %add3A_34 : vector<4096x512xf32>
    %max3A = arith.constant 0.000000e+00 : f32
    %max3A_36 = vector.broadcast %max3A : f32 to vector<4096x512xf32>
    %max3A_37 = arith.maximumf %add3A_35, %max3A_36 : vector<4096x512xf32>
    %get3A_38 = arith.constant 0 : index
    %get3A_39 = arith.constant 0 : index
    %get3A_40 = vector.load %arg5[%get3A_38, %get3A_39] : memref<512x512xf32, #tpu.memory_space<vmem>>, vector<512x512xf32>
    %dot_general3A_41 = arith.constant dense<0.000000e+00> : vector<4096x512xf32>
    %dot_general3A_42 = tpu.matmul %max3A_37, %get3A_40, %dot_general3A_41 {dimension_numbers = #tpu.dot_dimension_numbers<[1], [1], [0], [0], [0, 0, 1, 0], [], []>, transpose_lhs_hint = false} : vector<4096x512xf32>, vector<512x512xf32>, vector<4096x512xf32> -> vector<4096x512xf32>
    %get3A_43 = arith.constant 0 : index
    %get3A_44 = arith.constant 0 : index
    %get3A_45 = vector.load %arg6[%get3A_43, %get3A_44] : memref<1x512xf32, #tpu.memory_space<vmem>>, vector<1x512xf32>
    %add3A_46 = vector.broadcast %get3A_45 : vector<1x512xf32> to vector<4096x512xf32>
    %add3A_47 = arith.addf %dot_general3A_42, %add3A_46 : vector<4096x512xf32>
    %get3A_48 = arith.constant 0 : index
    %get3A_49 = arith.constant 0 : index
    %get3A_50 = vector.load %arg7[%get3A_48, %get3A_49] : memref<1x512xf32, #tpu.memory_space<vmem>>, vector<1x512xf32>
    %get3A_51 = arith.constant 0 : index
    %get3A_52 = arith.constant 0 : index
    %get3A_53 = vector.load %arg8[%get3A_51, %get3A_52] : memref<1x512xf32, #tpu.memory_space<vmem>>, vector<1x512xf32>
    %reduce_sum3A_54 = arith.constant dense<0.000000e+00> : vector<512xf32>
    %reduce_sum3A_55 = vector.multi_reduction <add>, %add3A_47, %reduce_sum3A_54 [0] : vector<4096x512xf32> to vector<512xf32>
    %broadcast_in_dim3A_56 = vector.shape_cast %reduce_sum3A_55 : vector<512xf32> to vector<1x512xf32>
    %div3A_57 = arith.constant 4.096000e+03 : f32
    %div3A_58 = vector.broadcast %div3A_57 : f32 to vector<1x512xf32>
    %div3A_59 = arith.divf %broadcast_in_dim3A_56, %div3A_58 : vector<1x512xf32>
    %sub3A_60 = vector.broadcast %div3A_59 : vector<1x512xf32> to vector<4096x512xf32>
    %sub3A_61 = arith.subf %add3A_47, %sub3A_60 : vector<4096x512xf32>
    %integer_pow3A_62 = arith.mulf %sub3A_61, %sub3A_61 : vector<4096x512xf32>
    %reduce_sum3A_63 = arith.constant dense<0.000000e+00> : vector<512xf32>
    %reduce_sum3A_64 = vector.multi_reduction <add>, %integer_pow3A_62, %reduce_sum3A_63 [0] : vector<4096x512xf32> to vector<512xf32>
    %broadcast_in_dim3A_65 = vector.shape_cast %reduce_sum3A_64 : vector<512xf32> to vector<1x512xf32>
    %div3A_66 = arith.constant 4.096000e+03 : f32
    %div3A_67 = vector.broadcast %div3A_66 : f32 to vector<1x512xf32>
    %div3A_68 = arith.divf %broadcast_in_dim3A_65, %div3A_67 : vector<1x512xf32>
    %sub3A_69 = vector.broadcast %div3A_59 : vector<1x512xf32> to vector<4096x512xf32>
    %sub3A_70 = arith.subf %add3A_47, %sub3A_69 : vector<4096x512xf32>
    %mul3A_71 = vector.broadcast %get3A_50 : vector<1x512xf32> to vector<4096x512xf32>
    %mul3A_72 = arith.mulf %mul3A_71, %sub3A_70 : vector<4096x512xf32>
    %add3A_73 = arith.constant 9.99999974E-6 : f32
    %add3A_74 = vector.broadcast %add3A_73 : f32 to vector<1x512xf32>
    %add3A_75 = arith.addf %div3A_68, %add3A_74 : vector<1x512xf32>
    %sqrt3A_76 = math.sqrt %add3A_75 : vector<1x512xf32>
    %div3A_77 = vector.broadcast %sqrt3A_76 : vector<1x512xf32> to vector<4096x512xf32>
    %div3A_78 = arith.divf %mul3A_72, %div3A_77 : vector<4096x512xf32>
    %add3A_79 = vector.broadcast %get3A_53 : vector<1x512xf32> to vector<4096x512xf32>
    %add3A_80 = arith.addf %div3A_78, %add3A_79 : vector<4096x512xf32>
    %max3A_81 = arith.constant 0.000000e+00 : f32
    %max3A_82 = vector.broadcast %max3A_81 : f32 to vector<4096x512xf32>
    %max3A_83 = arith.maximumf %add3A_80, %max3A_82 : vector<4096x512xf32>
    %get3A_84 = arith.constant 0 : index
    %get3A_85 = arith.constant 0 : index
    %get3A_86 = vector.load %arg9[%get3A_84, %get3A_85] : memref<32x512xf32, #tpu.memory_space<vmem>>, vector<32x512xf32>
    %dot_general3A_87 = arith.constant dense<0.000000e+00> : vector<4096x32xf32>
    %dot_general3A_88 = tpu.matmul %max3A_83, %get3A_86, %dot_general3A_87 {dimension_numbers = #tpu.dot_dimension_numbers<[1], [1], [0], [0], [0, 0, 1, 0], [], []>, transpose_lhs_hint = false} : vector<4096x512xf32>, vector<32x512xf32>, vector<4096x32xf32> -> vector<4096x32xf32>
    %get3A_89 = arith.constant 0 : index
    %get3A_90 = arith.constant 0 : index
    %get3A_91 = vector.load %arg10[%get3A_89, %get3A_90] : memref<1x32xf32, #tpu.memory_space<vmem>>, vector<1x32xf32>
    %add3A_92 = vector.broadcast %get3A_91 : vector<1x32xf32> to vector<4096x32xf32>
    %add3A_93 = arith.addf %dot_general3A_88, %add3A_92 : vector<4096x32xf32>
    %swap3A = arith.constant 0 : index
    %swap3A_94 = arith.constant 0 : index
    %swap3A_95 = vector.load %arg12[%swap3A, %swap3A_94] : memref<4096x32xf32, #tpu.memory_space<vmem>>, vector<4096x32xf32>
    tpu.vector_store %arg12[%swap3A, %swap3A_94], %add3A_93 {strides = array<i32>} : memref<4096x32xf32, #tpu.memory_space<vmem>>, vector<4096x32xf32>,
    %get3A_96 = arith.constant 0 : index
    %get3A_97 = arith.constant 0 : index
    %get3A_98 = vector.load %arg11[%get3A_96, %get3A_97] : memref<8192x32xf32, #tpu.memory_space<vmem>>, vector<1024x32xf32>
    %mul3A_99 = arith.mulf %get3A_98, %get3A_98 : vector<1024x32xf32>
    %reduce_sum3A_100 = arith.constant dense<0.000000e+00> : vector<1024xf32>
    %reduce_sum3A_101 = vector.multi_reduction <add>, %mul3A_99, %reduce_sum3A_100 [1] : vector<1024x32xf32> to vector<1024xf32>
    %broadcast_in_dim3A_102 = vector.shape_cast %reduce_sum3A_101 : vector<1024xf32> to vector<1x1024xf32>
    %swap3A_103 = arith.constant 0 : index
    %swap3A_104 = arith.constant 0 : index
    %swap3A_105 = vector.load %arg13[%swap3A_103, %swap3A_104] : memref<8x1024xf32, #tpu.memory_space<vmem>>, vector<1x1024xf32>
    tpu.vector_store %arg13[%swap3A_103, %swap3A_104], %broadcast_in_dim3A_102 {strides = array<i32>} : memref<8x1024xf32, #tpu.memory_space<vmem>>, vector<1x1024xf32>,
    %get3A_106 = arith.constant 1024 : index
    %get3A_107 = arith.constant 0 : index
    %get3A_108 = vector.load %arg11[%get3A_106, %get3A_107] : memref<8192x32xf32, #tpu.memory_space<vmem>>, vector<1024x32xf32>
    %mul3A_109 = arith.mulf %get3A_108, %get3A_108 : vector<1024x32xf32>
    %reduce_sum3A_110 = arith.constant dense<0.000000e+00> : vector<1024xf32>
    %reduce_sum3A_111 = vector.multi_reduction <add>, %mul3A_109, %reduce_sum3A_110 [1] : vector<1024x32xf32> to vector<1024xf32>
    %broadcast_in_dim3A_112 = vector.shape_cast %reduce_sum3A_111 : vector<1024xf32> to vector<1x1024xf32>
    %swap3A_113 = arith.constant 1 : index
    %swap3A_114 = arith.constant 0 : index
    %swap3A_115 = vector.load %arg13[%swap3A_113, %swap3A_114] : memref<8x1024xf32, #tpu.memory_space<vmem>>, vector<1x1024xf32>
    tpu.vector_store %arg13[%swap3A_113, %swap3A_114], %broadcast_in_dim3A_112 {strides = array<i32>} : memref<8x1024xf32, #tpu.memory_space<vmem>>, vector<1x1024xf32>,
    %get3A_116 = arith.constant 2048 : index
    %get3A_117 = arith.constant 0 : index
    %get3A_118 = vector.load %arg11[%get3A_116, %get3A_117] : memref<8192x32xf32, #tpu.memory_space<vmem>>, vector<1024x32xf32>
    %mul3A_119 = arith.mulf %get3A_118, %get3A_118 : vector<1024x32xf32>
    %reduce_sum3A_120 = arith.constant dense<0.000000e+00> : vector<1024xf32>
    %reduce_sum3A_121 = vector.multi_reduction <add>, %mul3A_119, %reduce_sum3A_120 [1] : vector<1024x32xf32> to vector<1024xf32>
    %broadcast_in_dim3A_122 = vector.shape_cast %reduce_sum3A_121 : vector<1024xf32> to vector<1x1024xf32>
    %swap3A_123 = arith.constant 2 : index
    %swap3A_124 = arith.constant 0 : index
    %swap3A_125 = vector.load %arg13[%swap3A_123, %swap3A_124] : memref<8x1024xf32, #tpu.memory_space<vmem>>, vector<1x1024xf32>
    tpu.vector_store %arg13[%swap3A_123, %swap3A_124], %broadcast_in_dim3A_122 {strides = array<i32>} : memref<8x1024xf32, #tpu.memory_space<vmem>>, vector<1x1024xf32>,
    %get3A_126 = arith.constant 3072 : index
    %get3A_127 = arith.constant 0 : index
    %get3A_128 = vector.load %arg11[%get3A_126, %get3A_127] : memref<8192x32xf32, #tpu.memory_space<vmem>>, vector<1024x32xf32>
    %mul3A_129 = arith.mulf %get3A_128, %get3A_128 : vector<1024x32xf32>
    %reduce_sum3A_130 = arith.constant dense<0.000000e+00> : vector<1024xf32>
    %reduce_sum3A_131 = vector.multi_reduction <add>, %mul3A_129, %reduce_sum3A_130 [1] : vector<1024x32xf32> to vector<1024xf32>
    %broadcast_in_dim3A_132 = vector.shape_cast %reduce_sum3A_131 : vector<1024xf32> to vector<1x1024xf32>
    %swap3A_133 = arith.constant 3 : index
    %swap3A_134 = arith.constant 0 : index
    %swap3A_135 = vector.load %arg13[%swap3A_133, %swap3A_134] : memref<8x1024xf32, #tpu.memory_space<vmem>>, vector<1x1024xf32>
    tpu.vector_store %arg13[%swap3A_133, %swap3A_134], %broadcast_in_dim3A_132 {strides = array<i32>} : memref<8x1024xf32, #tpu.memory_space<vmem>>, vector<1x1024xf32>,
    %get3A_136 = arith.constant 4096 : index
    %get3A_137 = arith.constant 0 : index
    %get3A_138 = vector.load %arg11[%get3A_136, %get3A_137] : memref<8192x32xf32, #tpu.memory_space<vmem>>, vector<1024x32xf32>
    %mul3A_139 = arith.mulf %get3A_138, %get3A_138 : vector<1024x32xf32>
    %reduce_sum3A_140 = arith.constant dense<0.000000e+00> : vector<1024xf32>
    %reduce_sum3A_141 = vector.multi_reduction <add>, %mul3A_139, %reduce_sum3A_140 [1] : vector<1024x32xf32> to vector<1024xf32>
    %broadcast_in_dim3A_142 = vector.shape_cast %reduce_sum3A_141 : vector<1024xf32> to vector<1x1024xf32>
    %swap3A_143 = arith.constant 4 : index
    %swap3A_144 = arith.constant 0 : index
    %swap3A_145 = vector.load %arg13[%swap3A_143, %swap3A_144] : memref<8x1024xf32, #tpu.memory_space<vmem>>, vector<1x1024xf32>
    tpu.vector_store %arg13[%swap3A_143, %swap3A_144], %broadcast_in_dim3A_142 {strides = array<i32>} : memref<8x1024xf32, #tpu.memory_space<vmem>>, vector<1x1024xf32>,
    %get3A_146 = arith.constant 5120 : index
    %get3A_147 = arith.constant 0 : index
    %get3A_148 = vector.load %arg11[%get3A_146, %get3A_147] : memref<8192x32xf32, #tpu.memory_space<vmem>>, vector<1024x32xf32>
    %mul3A_149 = arith.mulf %get3A_148, %get3A_148 : vector<1024x32xf32>
    %reduce_sum3A_150 = arith.constant dense<0.000000e+00> : vector<1024xf32>
    %reduce_sum3A_151 = vector.multi_reduction <add>, %mul3A_149, %reduce_sum3A_150 [1] : vector<1024x32xf32> to vector<1024xf32>
    %broadcast_in_dim3A_152 = vector.shape_cast %reduce_sum3A_151 : vector<1024xf32> to vector<1x1024xf32>
    %swap3A_153 = arith.constant 5 : index
    %swap3A_154 = arith.constant 0 : index
    %swap3A_155 = vector.load %arg13[%swap3A_153, %swap3A_154] : memref<8x1024xf32, #tpu.memory_space<vmem>>, vector<1x1024xf32>
    tpu.vector_store %arg13[%swap3A_153, %swap3A_154], %broadcast_in_dim3A_152 {strides = array<i32>} : memref<8x1024xf32, #tpu.memory_space<vmem>>, vector<1x1024xf32>,
    %get3A_156 = arith.constant 6144 : index
    %get3A_157 = arith.constant 0 : index
    %get3A_158 = vector.load %arg11[%get3A_156, %get3A_157] : memref<8192x32xf32, #tpu.memory_space<vmem>>, vector<1024x32xf32>
    %mul3A_159 = arith.mulf %get3A_158, %get3A_158 : vector<1024x32xf32>
    %reduce_sum3A_160 = arith.constant dense<0.000000e+00> : vector<1024xf32>
    %reduce_sum3A_161 = vector.multi_reduction <add>, %mul3A_159, %reduce_sum3A_160 [1] : vector<1024x32xf32> to vector<1024xf32>
    %broadcast_in_dim3A_162 = vector.shape_cast %reduce_sum3A_161 : vector<1024xf32> to vector<1x1024xf32>
    %swap3A_163 = arith.constant 6 : index
    %swap3A_164 = arith.constant 0 : index
    %swap3A_165 = vector.load %arg13[%swap3A_163, %swap3A_164] : memref<8x1024xf32, #tpu.memory_space<vmem>>, vector<1x1024xf32>
    tpu.vector_store %arg13[%swap3A_163, %swap3A_164], %broadcast_in_dim3A_162 {strides = array<i32>} : memref<8x1024xf32, #tpu.memory_space<vmem>>, vector<1x1024xf32>,
    %get3A_166 = arith.constant 7168 : index
    %get3A_167 = arith.constant 0 : index
    %get3A_168 = vector.load %arg11[%get3A_166, %get3A_167] : memref<8192x32xf32, #tpu.memory_space<vmem>>, vector<1024x32xf32>
    %mul3A_169 = arith.mulf %get3A_168, %get3A_168 : vector<1024x32xf32>
    %reduce_sum3A_170 = arith.constant dense<0.000000e+00> : vector<1024xf32>
    %reduce_sum3A_171 = vector.multi_reduction <add>, %mul3A_169, %reduce_sum3A_170 [1] : vector<1024x32xf32> to vector<1024xf32>
    %broadcast_in_dim3A_172 = vector.shape_cast %reduce_sum3A_171 : vector<1024xf32> to vector<1x1024xf32>
    %swap3A_173 = arith.constant 7 : index
    %swap3A_174 = arith.constant 0 : index
    %swap3A_175 = vector.load %arg13[%swap3A_173, %swap3A_174] : memref<8x1024xf32, #tpu.memory_space<vmem>>, vector<1x1024xf32>
    tpu.vector_store %arg13[%swap3A_173, %swap3A_174], %broadcast_in_dim3A_172 {strides = array<i32>} : memref<8x1024xf32, #tpu.memory_space<vmem>>, vector<1x1024xf32>,
    return
  }
}

module attributes {stable_mosaic.version = 14 : i64} {
  func.func @_vq_body(%arg0: i32, %arg1: memref<512x32xf32, #tpu.memory_space<vmem>>, %arg2: memref<8192x32xf32, #tpu.memory_space<vmem>>, %arg3: memref<8x1024xf32, #tpu.memory_space<vmem>>, %arg4: memref<512x1xi32, #tpu.memory_space<vmem>>, %arg5: memref<512x1xi32, #tpu.memory_space<vmem>>) attributes {dimension_semantics = [#tpu.dimension_semantics<arbitrary>], iteration_bounds = array<i64: 8>, scalar_prefetch = 0 : i64, scratch_operands = 0 : i64, tpu.core_type = #tpu.core_type<tc>, window_params = [{transform_indices = @transform_0, window_bounds = array<i64: 512, 32>}, {pipeline_mode = #tpu.pipeline_mode<synchronous>, transform_indices = @transform_1, window_bounds = array<i64: 8192, 32>}, {pipeline_mode = #tpu.pipeline_mode<synchronous>, transform_indices = @transform_2, window_bounds = array<i64: 8, 1024>}, {transform_indices = @transform_3, window_bounds = array<i64: 512, 1>}, {transform_indices = @transform_4, window_bounds = array<i64: 512, 1>}]} {
    %get3A = arith.constant 0 : index
    %get3A_0 = arith.constant 0 : index
    %get3A_1 = vector.load %arg1[%get3A, %get3A_0] : memref<512x32xf32, #tpu.memory_space<vmem>>, vector<512x32xf32>
    %mul3A = arith.mulf %get3A_1, %get3A_1 : vector<512x32xf32>
    %reduce_sum3A = arith.constant dense<0.000000e+00> : vector<512xf32>
    %reduce_sum3A_2 = vector.multi_reduction <add>, %mul3A, %reduce_sum3A [1] : vector<512x32xf32> to vector<512xf32>
    %broadcast_in_dim3A = vector.shape_cast %reduce_sum3A_2 : vector<512xf32> to vector<512x1xf32>
    %add3A = arith.addf %get3A_1, %get3A_1 : vector<512x32xf32>
    %broadcast_in_dim3A_3 = arith.constant 0x7F800000 : f32
    %broadcast_in_dim3A_4 = vector.broadcast %broadcast_in_dim3A_3 : f32 to vector<512x1xf32>
    %broadcast_in_dim3A_5 = arith.constant 0 : i32
    %broadcast_in_dim3A_6 = vector.broadcast %broadcast_in_dim3A_5 : i32 to vector<512x1xi32>
    %get3A_7 = arith.constant 0 : index
    %get3A_8 = arith.constant 0 : index
    %get3A_9 = vector.load %arg2[%get3A_7, %get3A_8] : memref<8192x32xf32, #tpu.memory_space<vmem>>, vector<1024x32xf32>
    %get3A_10 = arith.constant 0 : index
    %get3A_11 = arith.constant 0 : index
    %get3A_12 = vector.load %arg3[%get3A_10, %get3A_11] : memref<8x1024xf32, #tpu.memory_space<vmem>>, vector<1x1024xf32>
    %add3A_13 = vector.broadcast %broadcast_in_dim3A : vector<512x1xf32> to vector<512x1024xf32>
    %add3A_14 = vector.broadcast %get3A_12 : vector<1x1024xf32> to vector<512x1024xf32>
    %add3A_15 = arith.addf %add3A_13, %add3A_14 : vector<512x1024xf32>
    %dot_general3A = arith.constant dense<0.000000e+00> : vector<512x1024xf32>
    %dot_general3A_16 = tpu.matmul %add3A, %get3A_9, %dot_general3A {dimension_numbers = #tpu.dot_dimension_numbers<[1], [1], [0], [0], [0, 0, 1, 0], [], []>, transpose_lhs_hint = false} : vector<512x32xf32>, vector<1024x32xf32>, vector<512x1024xf32> -> vector<512x1024xf32>
    %sub3A = arith.subf %add3A_15, %dot_general3A_16 : vector<512x1024xf32>
    %reduce_min3A = arith.constant dense<0x7F800000> : vector<512xf32>
    %reduce_min3A_17 = vector.multi_reduction <minimumf>, %sub3A, %reduce_min3A [1] : vector<512x1024xf32> to vector<512xf32>
    %broadcast_in_dim3A_18 = vector.shape_cast %reduce_min3A_17 : vector<512xf32> to vector<512x1xf32>
    %iota3A = tpu.iota {dimensions = array<i32: 1>} : vector<512x1024xi32>
    %add3A_19 = arith.constant 0 : i32
    %add3A_20 = vector.broadcast %add3A_19 : i32 to vector<512x1024xi32>
    %add3A_21 = arith.addi %iota3A, %add3A_20 : vector<512x1024xi32>
    %eq3A = vector.broadcast %broadcast_in_dim3A_18 : vector<512x1xf32> to vector<512x1024xf32>
    %eq3A_22 = arith.cmpf oeq, %sub3A, %eq3A : vector<512x1024xf32>
    %jit3A = arith.constant 1073741824 : i32
    %broadcast_in_dim3A_23 = vector.broadcast %jit3A : i32 to vector<512x1024xi32>
    %select_n3A = arith.select %eq3A_22, %add3A_21, %broadcast_in_dim3A_23 : vector<512x1024xi1>, vector<512x1024xi32>
    %reduce_min3A_24 = arith.constant dense<2147483647> : vector<512xi32>
    %reduce_min3A_25 = vector.multi_reduction <minsi>, %select_n3A, %reduce_min3A_24 [1] : vector<512x1024xi32> to vector<512xi32>
    %broadcast_in_dim3A_26 = vector.shape_cast %reduce_min3A_25 : vector<512xi32> to vector<512x1xi32>
    %lt3A = arith.cmpf olt, %broadcast_in_dim3A_18, %broadcast_in_dim3A_4 : vector<512x1xf32>
    %select_n3A_27 = arith.select %lt3A, %broadcast_in_dim3A_18, %broadcast_in_dim3A_4 : vector<512x1xi1>, vector<512x1xf32>
    %select_n3A_28 = arith.select %lt3A, %broadcast_in_dim3A_26, %broadcast_in_dim3A_6 : vector<512x1xi1>, vector<512x1xi32>
    %get3A_29 = arith.constant 1024 : index
    %get3A_30 = arith.constant 0 : index
    %get3A_31 = vector.load %arg2[%get3A_29, %get3A_30] : memref<8192x32xf32, #tpu.memory_space<vmem>>, vector<1024x32xf32>
    %get3A_32 = arith.constant 1 : index
    %get3A_33 = arith.constant 0 : index
    %get3A_34 = vector.load %arg3[%get3A_32, %get3A_33] : memref<8x1024xf32, #tpu.memory_space<vmem>>, vector<1x1024xf32>
    %add3A_35 = vector.broadcast %broadcast_in_dim3A : vector<512x1xf32> to vector<512x1024xf32>
    %add3A_36 = vector.broadcast %get3A_34 : vector<1x1024xf32> to vector<512x1024xf32>
    %add3A_37 = arith.addf %add3A_35, %add3A_36 : vector<512x1024xf32>
    %dot_general3A_38 = arith.constant dense<0.000000e+00> : vector<512x1024xf32>
    %dot_general3A_39 = tpu.matmul %add3A, %get3A_31, %dot_general3A_38 {dimension_numbers = #tpu.dot_dimension_numbers<[1], [1], [0], [0], [0, 0, 1, 0], [], []>, transpose_lhs_hint = false} : vector<512x32xf32>, vector<1024x32xf32>, vector<512x1024xf32> -> vector<512x1024xf32>
    %sub3A_40 = arith.subf %add3A_37, %dot_general3A_39 : vector<512x1024xf32>
    %reduce_min3A_41 = arith.constant dense<0x7F800000> : vector<512xf32>
    %reduce_min3A_42 = vector.multi_reduction <minimumf>, %sub3A_40, %reduce_min3A_41 [1] : vector<512x1024xf32> to vector<512xf32>
    %broadcast_in_dim3A_43 = vector.shape_cast %reduce_min3A_42 : vector<512xf32> to vector<512x1xf32>
    %iota3A_44 = tpu.iota {dimensions = array<i32: 1>} : vector<512x1024xi32>
    %add3A_45 = arith.constant 1024 : i32
    %add3A_46 = vector.broadcast %add3A_45 : i32 to vector<512x1024xi32>
    %add3A_47 = arith.addi %iota3A_44, %add3A_46 : vector<512x1024xi32>
    %eq3A_48 = vector.broadcast %broadcast_in_dim3A_43 : vector<512x1xf32> to vector<512x1024xf32>
    %eq3A_49 = arith.cmpf oeq, %sub3A_40, %eq3A_48 : vector<512x1024xf32>
    %jit3A_50 = arith.constant 1073741824 : i32
    %broadcast_in_dim3A_51 = vector.broadcast %jit3A_50 : i32 to vector<512x1024xi32>
    %select_n3A_52 = arith.select %eq3A_49, %add3A_47, %broadcast_in_dim3A_51 : vector<512x1024xi1>, vector<512x1024xi32>
    %reduce_min3A_53 = arith.constant dense<2147483647> : vector<512xi32>
    %reduce_min3A_54 = vector.multi_reduction <minsi>, %select_n3A_52, %reduce_min3A_53 [1] : vector<512x1024xi32> to vector<512xi32>
    %broadcast_in_dim3A_55 = vector.shape_cast %reduce_min3A_54 : vector<512xi32> to vector<512x1xi32>
    %lt3A_56 = arith.cmpf olt, %broadcast_in_dim3A_43, %select_n3A_27 : vector<512x1xf32>
    %select_n3A_57 = arith.select %lt3A_56, %broadcast_in_dim3A_43, %select_n3A_27 : vector<512x1xi1>, vector<512x1xf32>
    %select_n3A_58 = arith.select %lt3A_56, %broadcast_in_dim3A_55, %select_n3A_28 : vector<512x1xi1>, vector<512x1xi32>
    %get3A_59 = arith.constant 2048 : index
    %get3A_60 = arith.constant 0 : index
    %get3A_61 = vector.load %arg2[%get3A_59, %get3A_60] : memref<8192x32xf32, #tpu.memory_space<vmem>>, vector<1024x32xf32>
    %get3A_62 = arith.constant 2 : index
    %get3A_63 = arith.constant 0 : index
    %get3A_64 = vector.load %arg3[%get3A_62, %get3A_63] : memref<8x1024xf32, #tpu.memory_space<vmem>>, vector<1x1024xf32>
    %add3A_65 = vector.broadcast %broadcast_in_dim3A : vector<512x1xf32> to vector<512x1024xf32>
    %add3A_66 = vector.broadcast %get3A_64 : vector<1x1024xf32> to vector<512x1024xf32>
    %add3A_67 = arith.addf %add3A_65, %add3A_66 : vector<512x1024xf32>
    %dot_general3A_68 = arith.constant dense<0.000000e+00> : vector<512x1024xf32>
    %dot_general3A_69 = tpu.matmul %add3A, %get3A_61, %dot_general3A_68 {dimension_numbers = #tpu.dot_dimension_numbers<[1], [1], [0], [0], [0, 0, 1, 0], [], []>, transpose_lhs_hint = false} : vector<512x32xf32>, vector<1024x32xf32>, vector<512x1024xf32> -> vector<512x1024xf32>
    %sub3A_70 = arith.subf %add3A_67, %dot_general3A_69 : vector<512x1024xf32>
    %reduce_min3A_71 = arith.constant dense<0x7F800000> : vector<512xf32>
    %reduce_min3A_72 = vector.multi_reduction <minimumf>, %sub3A_70, %reduce_min3A_71 [1] : vector<512x1024xf32> to vector<512xf32>
    %broadcast_in_dim3A_73 = vector.shape_cast %reduce_min3A_72 : vector<512xf32> to vector<512x1xf32>
    %iota3A_74 = tpu.iota {dimensions = array<i32: 1>} : vector<512x1024xi32>
    %add3A_75 = arith.constant 2048 : i32
    %add3A_76 = vector.broadcast %add3A_75 : i32 to vector<512x1024xi32>
    %add3A_77 = arith.addi %iota3A_74, %add3A_76 : vector<512x1024xi32>
    %eq3A_78 = vector.broadcast %broadcast_in_dim3A_73 : vector<512x1xf32> to vector<512x1024xf32>
    %eq3A_79 = arith.cmpf oeq, %sub3A_70, %eq3A_78 : vector<512x1024xf32>
    %jit3A_80 = arith.constant 1073741824 : i32
    %broadcast_in_dim3A_81 = vector.broadcast %jit3A_80 : i32 to vector<512x1024xi32>
    %select_n3A_82 = arith.select %eq3A_79, %add3A_77, %broadcast_in_dim3A_81 : vector<512x1024xi1>, vector<512x1024xi32>
    %reduce_min3A_83 = arith.constant dense<2147483647> : vector<512xi32>
    %reduce_min3A_84 = vector.multi_reduction <minsi>, %select_n3A_82, %reduce_min3A_83 [1] : vector<512x1024xi32> to vector<512xi32>
    %broadcast_in_dim3A_85 = vector.shape_cast %reduce_min3A_84 : vector<512xi32> to vector<512x1xi32>
    %lt3A_86 = arith.cmpf olt, %broadcast_in_dim3A_73, %select_n3A_57 : vector<512x1xf32>
    %select_n3A_87 = arith.select %lt3A_86, %broadcast_in_dim3A_73, %select_n3A_57 : vector<512x1xi1>, vector<512x1xf32>
    %select_n3A_88 = arith.select %lt3A_86, %broadcast_in_dim3A_85, %select_n3A_58 : vector<512x1xi1>, vector<512x1xi32>
    %get3A_89 = arith.constant 3072 : index
    %get3A_90 = arith.constant 0 : index
    %get3A_91 = vector.load %arg2[%get3A_89, %get3A_90] : memref<8192x32xf32, #tpu.memory_space<vmem>>, vector<1024x32xf32>
    %get3A_92 = arith.constant 3 : index
    %get3A_93 = arith.constant 0 : index
    %get3A_94 = vector.load %arg3[%get3A_92, %get3A_93] : memref<8x1024xf32, #tpu.memory_space<vmem>>, vector<1x1024xf32>
    %add3A_95 = vector.broadcast %broadcast_in_dim3A : vector<512x1xf32> to vector<512x1024xf32>
    %add3A_96 = vector.broadcast %get3A_94 : vector<1x1024xf32> to vector<512x1024xf32>
    %add3A_97 = arith.addf %add3A_95, %add3A_96 : vector<512x1024xf32>
    %dot_general3A_98 = arith.constant dense<0.000000e+00> : vector<512x1024xf32>
    %dot_general3A_99 = tpu.matmul %add3A, %get3A_91, %dot_general3A_98 {dimension_numbers = #tpu.dot_dimension_numbers<[1], [1], [0], [0], [0, 0, 1, 0], [], []>, transpose_lhs_hint = false} : vector<512x32xf32>, vector<1024x32xf32>, vector<512x1024xf32> -> vector<512x1024xf32>
    %sub3A_100 = arith.subf %add3A_97, %dot_general3A_99 : vector<512x1024xf32>
    %reduce_min3A_101 = arith.constant dense<0x7F800000> : vector<512xf32>
    %reduce_min3A_102 = vector.multi_reduction <minimumf>, %sub3A_100, %reduce_min3A_101 [1] : vector<512x1024xf32> to vector<512xf32>
    %broadcast_in_dim3A_103 = vector.shape_cast %reduce_min3A_102 : vector<512xf32> to vector<512x1xf32>
    %iota3A_104 = tpu.iota {dimensions = array<i32: 1>} : vector<512x1024xi32>
    %add3A_105 = arith.constant 3072 : i32
    %add3A_106 = vector.broadcast %add3A_105 : i32 to vector<512x1024xi32>
    %add3A_107 = arith.addi %iota3A_104, %add3A_106 : vector<512x1024xi32>
    %eq3A_108 = vector.broadcast %broadcast_in_dim3A_103 : vector<512x1xf32> to vector<512x1024xf32>
    %eq3A_109 = arith.cmpf oeq, %sub3A_100, %eq3A_108 : vector<512x1024xf32>
    %jit3A_110 = arith.constant 1073741824 : i32
    %broadcast_in_dim3A_111 = vector.broadcast %jit3A_110 : i32 to vector<512x1024xi32>
    %select_n3A_112 = arith.select %eq3A_109, %add3A_107, %broadcast_in_dim3A_111 : vector<512x1024xi1>, vector<512x1024xi32>
    %reduce_min3A_113 = arith.constant dense<2147483647> : vector<512xi32>
    %reduce_min3A_114 = vector.multi_reduction <minsi>, %select_n3A_112, %reduce_min3A_113 [1] : vector<512x1024xi32> to vector<512xi32>
    %broadcast_in_dim3A_115 = vector.shape_cast %reduce_min3A_114 : vector<512xi32> to vector<512x1xi32>
    %lt3A_116 = arith.cmpf olt, %broadcast_in_dim3A_103, %select_n3A_87 : vector<512x1xf32>
    %select_n3A_117 = arith.select %lt3A_116, %broadcast_in_dim3A_103, %select_n3A_87 : vector<512x1xi1>, vector<512x1xf32>
    %select_n3A_118 = arith.select %lt3A_116, %broadcast_in_dim3A_115, %select_n3A_88 : vector<512x1xi1>, vector<512x1xi32>
    %get3A_119 = arith.constant 4096 : index
    %get3A_120 = arith.constant 0 : index
    %get3A_121 = vector.load %arg2[%get3A_119, %get3A_120] : memref<8192x32xf32, #tpu.memory_space<vmem>>, vector<1024x32xf32>
    %get3A_122 = arith.constant 4 : index
    %get3A_123 = arith.constant 0 : index
    %get3A_124 = vector.load %arg3[%get3A_122, %get3A_123] : memref<8x1024xf32, #tpu.memory_space<vmem>>, vector<1x1024xf32>
    %add3A_125 = vector.broadcast %broadcast_in_dim3A : vector<512x1xf32> to vector<512x1024xf32>
    %add3A_126 = vector.broadcast %get3A_124 : vector<1x1024xf32> to vector<512x1024xf32>
    %add3A_127 = arith.addf %add3A_125, %add3A_126 : vector<512x1024xf32>
    %dot_general3A_128 = arith.constant dense<0.000000e+00> : vector<512x1024xf32>
    %dot_general3A_129 = tpu.matmul %add3A, %get3A_121, %dot_general3A_128 {dimension_numbers = #tpu.dot_dimension_numbers<[1], [1], [0], [0], [0, 0, 1, 0], [], []>, transpose_lhs_hint = false} : vector<512x32xf32>, vector<1024x32xf32>, vector<512x1024xf32> -> vector<512x1024xf32>
    %sub3A_130 = arith.subf %add3A_127, %dot_general3A_129 : vector<512x1024xf32>
    %reduce_min3A_131 = arith.constant dense<0x7F800000> : vector<512xf32>
    %reduce_min3A_132 = vector.multi_reduction <minimumf>, %sub3A_130, %reduce_min3A_131 [1] : vector<512x1024xf32> to vector<512xf32>
    %broadcast_in_dim3A_133 = vector.shape_cast %reduce_min3A_132 : vector<512xf32> to vector<512x1xf32>
    %iota3A_134 = tpu.iota {dimensions = array<i32: 1>} : vector<512x1024xi32>
    %add3A_135 = arith.constant 4096 : i32
    %add3A_136 = vector.broadcast %add3A_135 : i32 to vector<512x1024xi32>
    %add3A_137 = arith.addi %iota3A_134, %add3A_136 : vector<512x1024xi32>
    %eq3A_138 = vector.broadcast %broadcast_in_dim3A_133 : vector<512x1xf32> to vector<512x1024xf32>
    %eq3A_139 = arith.cmpf oeq, %sub3A_130, %eq3A_138 : vector<512x1024xf32>
    %jit3A_140 = arith.constant 1073741824 : i32
    %broadcast_in_dim3A_141 = vector.broadcast %jit3A_140 : i32 to vector<512x1024xi32>
    %select_n3A_142 = arith.select %eq3A_139, %add3A_137, %broadcast_in_dim3A_141 : vector<512x1024xi1>, vector<512x1024xi32>
    %reduce_min3A_143 = arith.constant dense<2147483647> : vector<512xi32>
    %reduce_min3A_144 = vector.multi_reduction <minsi>, %select_n3A_142, %reduce_min3A_143 [1] : vector<512x1024xi32> to vector<512xi32>
    %broadcast_in_dim3A_145 = vector.shape_cast %reduce_min3A_144 : vector<512xi32> to vector<512x1xi32>
    %lt3A_146 = arith.cmpf olt, %broadcast_in_dim3A_133, %select_n3A_117 : vector<512x1xf32>
    %select_n3A_147 = arith.select %lt3A_146, %broadcast_in_dim3A_133, %select_n3A_117 : vector<512x1xi1>, vector<512x1xf32>
    %select_n3A_148 = arith.select %lt3A_146, %broadcast_in_dim3A_145, %select_n3A_118 : vector<512x1xi1>, vector<512x1xi32>
    %get3A_149 = arith.constant 5120 : index
    %get3A_150 = arith.constant 0 : index
    %get3A_151 = vector.load %arg2[%get3A_149, %get3A_150] : memref<8192x32xf32, #tpu.memory_space<vmem>>, vector<1024x32xf32>
    %get3A_152 = arith.constant 5 : index
    %get3A_153 = arith.constant 0 : index
    %get3A_154 = vector.load %arg3[%get3A_152, %get3A_153] : memref<8x1024xf32, #tpu.memory_space<vmem>>, vector<1x1024xf32>
    %add3A_155 = vector.broadcast %broadcast_in_dim3A : vector<512x1xf32> to vector<512x1024xf32>
    %add3A_156 = vector.broadcast %get3A_154 : vector<1x1024xf32> to vector<512x1024xf32>
    %add3A_157 = arith.addf %add3A_155, %add3A_156 : vector<512x1024xf32>
    %dot_general3A_158 = arith.constant dense<0.000000e+00> : vector<512x1024xf32>
    %dot_general3A_159 = tpu.matmul %add3A, %get3A_151, %dot_general3A_158 {dimension_numbers = #tpu.dot_dimension_numbers<[1], [1], [0], [0], [0, 0, 1, 0], [], []>, transpose_lhs_hint = false} : vector<512x32xf32>, vector<1024x32xf32>, vector<512x1024xf32> -> vector<512x1024xf32>
    %sub3A_160 = arith.subf %add3A_157, %dot_general3A_159 : vector<512x1024xf32>
    %reduce_min3A_161 = arith.constant dense<0x7F800000> : vector<512xf32>
    %reduce_min3A_162 = vector.multi_reduction <minimumf>, %sub3A_160, %reduce_min3A_161 [1] : vector<512x1024xf32> to vector<512xf32>
    %broadcast_in_dim3A_163 = vector.shape_cast %reduce_min3A_162 : vector<512xf32> to vector<512x1xf32>
    %iota3A_164 = tpu.iota {dimensions = array<i32: 1>} : vector<512x1024xi32>
    %add3A_165 = arith.constant 5120 : i32
    %add3A_166 = vector.broadcast %add3A_165 : i32 to vector<512x1024xi32>
    %add3A_167 = arith.addi %iota3A_164, %add3A_166 : vector<512x1024xi32>
    %eq3A_168 = vector.broadcast %broadcast_in_dim3A_163 : vector<512x1xf32> to vector<512x1024xf32>
    %eq3A_169 = arith.cmpf oeq, %sub3A_160, %eq3A_168 : vector<512x1024xf32>
    %jit3A_170 = arith.constant 1073741824 : i32
    %broadcast_in_dim3A_171 = vector.broadcast %jit3A_170 : i32 to vector<512x1024xi32>
    %select_n3A_172 = arith.select %eq3A_169, %add3A_167, %broadcast_in_dim3A_171 : vector<512x1024xi1>, vector<512x1024xi32>
    %reduce_min3A_173 = arith.constant dense<2147483647> : vector<512xi32>
    %reduce_min3A_174 = vector.multi_reduction <minsi>, %select_n3A_172, %reduce_min3A_173 [1] : vector<512x1024xi32> to vector<512xi32>
    %broadcast_in_dim3A_175 = vector.shape_cast %reduce_min3A_174 : vector<512xi32> to vector<512x1xi32>
    %lt3A_176 = arith.cmpf olt, %broadcast_in_dim3A_163, %select_n3A_147 : vector<512x1xf32>
    %select_n3A_177 = arith.select %lt3A_176, %broadcast_in_dim3A_163, %select_n3A_147 : vector<512x1xi1>, vector<512x1xf32>
    %select_n3A_178 = arith.select %lt3A_176, %broadcast_in_dim3A_175, %select_n3A_148 : vector<512x1xi1>, vector<512x1xi32>
    %get3A_179 = arith.constant 6144 : index
    %get3A_180 = arith.constant 0 : index
    %get3A_181 = vector.load %arg2[%get3A_179, %get3A_180] : memref<8192x32xf32, #tpu.memory_space<vmem>>, vector<1024x32xf32>
    %get3A_182 = arith.constant 6 : index
    %get3A_183 = arith.constant 0 : index
    %get3A_184 = vector.load %arg3[%get3A_182, %get3A_183] : memref<8x1024xf32, #tpu.memory_space<vmem>>, vector<1x1024xf32>
    %add3A_185 = vector.broadcast %broadcast_in_dim3A : vector<512x1xf32> to vector<512x1024xf32>
    %add3A_186 = vector.broadcast %get3A_184 : vector<1x1024xf32> to vector<512x1024xf32>
    %add3A_187 = arith.addf %add3A_185, %add3A_186 : vector<512x1024xf32>
    %dot_general3A_188 = arith.constant dense<0.000000e+00> : vector<512x1024xf32>
    %dot_general3A_189 = tpu.matmul %add3A, %get3A_181, %dot_general3A_188 {dimension_numbers = #tpu.dot_dimension_numbers<[1], [1], [0], [0], [0, 0, 1, 0], [], []>, transpose_lhs_hint = false} : vector<512x32xf32>, vector<1024x32xf32>, vector<512x1024xf32> -> vector<512x1024xf32>
    %sub3A_190 = arith.subf %add3A_187, %dot_general3A_189 : vector<512x1024xf32>
    %reduce_min3A_191 = arith.constant dense<0x7F800000> : vector<512xf32>
    %reduce_min3A_192 = vector.multi_reduction <minimumf>, %sub3A_190, %reduce_min3A_191 [1] : vector<512x1024xf32> to vector<512xf32>
    %broadcast_in_dim3A_193 = vector.shape_cast %reduce_min3A_192 : vector<512xf32> to vector<512x1xf32>
    %iota3A_194 = tpu.iota {dimensions = array<i32: 1>} : vector<512x1024xi32>
    %add3A_195 = arith.constant 6144 : i32
    %add3A_196 = vector.broadcast %add3A_195 : i32 to vector<512x1024xi32>
    %add3A_197 = arith.addi %iota3A_194, %add3A_196 : vector<512x1024xi32>
    %eq3A_198 = vector.broadcast %broadcast_in_dim3A_193 : vector<512x1xf32> to vector<512x1024xf32>
    %eq3A_199 = arith.cmpf oeq, %sub3A_190, %eq3A_198 : vector<512x1024xf32>
    %jit3A_200 = arith.constant 1073741824 : i32
    %broadcast_in_dim3A_201 = vector.broadcast %jit3A_200 : i32 to vector<512x1024xi32>
    %select_n3A_202 = arith.select %eq3A_199, %add3A_197, %broadcast_in_dim3A_201 : vector<512x1024xi1>, vector<512x1024xi32>
    %reduce_min3A_203 = arith.constant dense<2147483647> : vector<512xi32>
    %reduce_min3A_204 = vector.multi_reduction <minsi>, %select_n3A_202, %reduce_min3A_203 [1] : vector<512x1024xi32> to vector<512xi32>
    %broadcast_in_dim3A_205 = vector.shape_cast %reduce_min3A_204 : vector<512xi32> to vector<512x1xi32>
    %lt3A_206 = arith.cmpf olt, %broadcast_in_dim3A_193, %select_n3A_177 : vector<512x1xf32>
    %select_n3A_207 = arith.select %lt3A_206, %broadcast_in_dim3A_193, %select_n3A_177 : vector<512x1xi1>, vector<512x1xf32>
    %select_n3A_208 = arith.select %lt3A_206, %broadcast_in_dim3A_205, %select_n3A_178 : vector<512x1xi1>, vector<512x1xi32>
    %get3A_209 = arith.constant 7168 : index
    %get3A_210 = arith.constant 0 : index
    %get3A_211 = vector.load %arg2[%get3A_209, %get3A_210] : memref<8192x32xf32, #tpu.memory_space<vmem>>, vector<1024x32xf32>
    %get3A_212 = arith.constant 7 : index
    %get3A_213 = arith.constant 0 : index
    %get3A_214 = vector.load %arg3[%get3A_212, %get3A_213] : memref<8x1024xf32, #tpu.memory_space<vmem>>, vector<1x1024xf32>
    %add3A_215 = vector.broadcast %broadcast_in_dim3A : vector<512x1xf32> to vector<512x1024xf32>
    %add3A_216 = vector.broadcast %get3A_214 : vector<1x1024xf32> to vector<512x1024xf32>
    %add3A_217 = arith.addf %add3A_215, %add3A_216 : vector<512x1024xf32>
    %dot_general3A_218 = arith.constant dense<0.000000e+00> : vector<512x1024xf32>
    %dot_general3A_219 = tpu.matmul %add3A, %get3A_211, %dot_general3A_218 {dimension_numbers = #tpu.dot_dimension_numbers<[1], [1], [0], [0], [0, 0, 1, 0], [], []>, transpose_lhs_hint = false} : vector<512x32xf32>, vector<1024x32xf32>, vector<512x1024xf32> -> vector<512x1024xf32>
    %sub3A_220 = arith.subf %add3A_217, %dot_general3A_219 : vector<512x1024xf32>
    %reduce_min3A_221 = arith.constant dense<0x7F800000> : vector<512xf32>
    %reduce_min3A_222 = vector.multi_reduction <minimumf>, %sub3A_220, %reduce_min3A_221 [1] : vector<512x1024xf32> to vector<512xf32>
    %broadcast_in_dim3A_223 = vector.shape_cast %reduce_min3A_222 : vector<512xf32> to vector<512x1xf32>
    %iota3A_224 = tpu.iota {dimensions = array<i32: 1>} : vector<512x1024xi32>
    %add3A_225 = arith.constant 7168 : i32
    %add3A_226 = vector.broadcast %add3A_225 : i32 to vector<512x1024xi32>
    %add3A_227 = arith.addi %iota3A_224, %add3A_226 : vector<512x1024xi32>
    %eq3A_228 = vector.broadcast %broadcast_in_dim3A_223 : vector<512x1xf32> to vector<512x1024xf32>
    %eq3A_229 = arith.cmpf oeq, %sub3A_220, %eq3A_228 : vector<512x1024xf32>
    %jit3A_230 = arith.constant 1073741824 : i32
    %broadcast_in_dim3A_231 = vector.broadcast %jit3A_230 : i32 to vector<512x1024xi32>
    %select_n3A_232 = arith.select %eq3A_229, %add3A_227, %broadcast_in_dim3A_231 : vector<512x1024xi1>, vector<512x1024xi32>
    %reduce_min3A_233 = arith.constant dense<2147483647> : vector<512xi32>
    %reduce_min3A_234 = vector.multi_reduction <minsi>, %select_n3A_232, %reduce_min3A_233 [1] : vector<512x1024xi32> to vector<512xi32>
    %broadcast_in_dim3A_235 = vector.shape_cast %reduce_min3A_234 : vector<512xi32> to vector<512x1xi32>
    %lt3A_236 = arith.cmpf olt, %broadcast_in_dim3A_223, %select_n3A_207 : vector<512x1xf32>
    %select_n3A_237 = arith.select %lt3A_236, %broadcast_in_dim3A_235, %select_n3A_208 : vector<512x1xi1>, vector<512x1xi32>
    %shift_right_arithmetic3A = arith.constant 2 : i32
    %shift_right_arithmetic3A_238 = vector.broadcast %shift_right_arithmetic3A : i32 to vector<512x1xi32>
    %shift_right_arithmetic3A_239 = arith.shrsi %select_n3A_237, %shift_right_arithmetic3A_238 : vector<512x1xi32>
    %swap3A = arith.constant 0 : index
    %swap3A_240 = arith.constant 0 : index
    %swap3A_241 = vector.load %arg4[%swap3A, %swap3A_240] : memref<512x1xi32, #tpu.memory_space<vmem>>, vector<512x1xi32>
    tpu.vector_store %arg4[%swap3A, %swap3A_240], %shift_right_arithmetic3A_239 {strides = array<i32>} : memref<512x1xi32, #tpu.memory_space<vmem>>, vector<512x1xi32>,
    %and3A = arith.constant 3 : i32
    %and3A_242 = vector.broadcast %and3A : i32 to vector<512x1xi32>
    %and3A_243 = arith.andi %select_n3A_237, %and3A_242 : vector<512x1xi32>
    %swap3A_244 = arith.constant 0 : index
    %swap3A_245 = arith.constant 0 : index
    %swap3A_246 = vector.load %arg5[%swap3A_244, %swap3A_245] : memref<512x1xi32, #tpu.memory_space<vmem>>, vector<512x1xi32>
    tpu.vector_store %arg5[%swap3A_244, %swap3A_245], %and3A_243 {strides = array<i32>} : memref<512x1xi32, #tpu.memory_space<vmem>>, vector<512x1xi32>,
    return
  }
  func.func @transform_0(%arg0: i32) -> (i32, i32) {
    %c0_i32 = arith.constant 0 : i32
    %c0_i32_0 = arith.constant 0 : i32
    return %arg0, %c0_i32 : i32, i32
  }
  func.func @transform_1(%arg0: i32) -> (i32, i32) {
    %c0_i32 = arith.constant 0 : i32
    %c0_i32_0 = arith.constant 0 : i32
    %c0_i32_1 = arith.constant 0 : i32
    return %c0_i32, %c0_i32_0 : i32, i32
  }
  func.func @transform_2(%arg0: i32) -> (i32, i32) {
    %c0_i32 = arith.constant 0 : i32
    %c0_i32_0 = arith.constant 0 : i32
    %c0_i32_1 = arith.constant 0 : i32
    return %c0_i32, %c0_i32_0 : i32, i32
  }
  func.func @transform_3(%arg0: i32) -> (i32, i32) {
    %c0_i32 = arith.constant 0 : i32
    %c0_i32_0 = arith.constant 0 : i32
    return %arg0, %c0_i32 : i32, i32
  }
  func.func @transform_4(%arg0: i32) -> (i32, i32) {
    %c0_i32 = arith.constant 0 : i32
    %c0_i32_0 = arith.constant 0 : i32
    return %arg0, %c0_i32 : i32, i32
  }
}

module attributes {stable_mosaic.version = 14 : i64} {
  func.func @_dec_body(%arg0: memref<4096x128xf32, #tpu.memory_space<vmem>>, %arg1: memref<4096x1xi32, #tpu.memory_space<vmem>>, %arg2: memref<512x32xf32, #tpu.memory_space<vmem>>, %arg3: memref<1x512xf32, #tpu.memory_space<vmem>>, %arg4: memref<1x512xf32, #tpu.memory_space<vmem>>, %arg5: memref<1x512xf32, #tpu.memory_space<vmem>>, %arg6: memref<512x512xf32, #tpu.memory_space<vmem>>, %arg7: memref<1x512xf32, #tpu.memory_space<vmem>>, %arg8: memref<1x512xf32, #tpu.memory_space<vmem>>, %arg9: memref<1x512xf32, #tpu.memory_space<vmem>>, %arg10: memref<256x512xf32, #tpu.memory_space<vmem>>, %arg11: memref<1x256xf32, #tpu.memory_space<vmem>>, %arg12: memref<4096x256xf32, #tpu.memory_space<vmem>>, %arg13: memref<4096x32xf32, #tpu.memory_space<vmem>>) attributes {dimension_semantics = [], scalar_prefetch = 0 : i64, scratch_operands = 0 : i64, tpu.core_type = #tpu.core_type<tc>} {
    %get3A = arith.constant 0 : index
    %get3A_0 = arith.constant 0 : index
    %get3A_1 = vector.load %arg0[%get3A, %get3A_0] : memref<4096x128xf32, #tpu.memory_space<vmem>>, vector<4096x128xf32>
    %get3A_2 = arith.constant 0 : index
    %get3A_3 = arith.constant 0 : index
    %get3A_4 = vector.load %arg1[%get3A_2, %get3A_3] : memref<4096x1xi32, #tpu.memory_space<vmem>>, vector<4096x1xi32>
    %slice3A = vector.extract_strided_slice %get3A_1 {offsets = [0, 0], sizes = [4096, 32], strides = [1, 1]} : vector<4096x128xf32> to vector<4096x32xf32>
    %eq3A = arith.constant 1 : i32
    %eq3A_5 = vector.broadcast %eq3A : i32 to vector<4096x1xi32>
    %eq3A_6 = arith.cmpi eq, %get3A_4, %eq3A_5 : vector<4096x1xi32>
    %slice3A_7 = vector.extract_strided_slice %get3A_1 {offsets = [0, 32], sizes = [4096, 32], strides = [1, 1]} : vector<4096x128xf32> to vector<4096x32xf32>
    %broadcast_in_dim3A = vector.shape_cast %eq3A_6 : vector<4096x1xi1> to vector<4096x1xi1>
    %broadcast_in_dim3A_8 = vector.broadcast %broadcast_in_dim3A : vector<4096x1xi1> to vector<4096x32xi1>
    %select_n3A = arith.select %broadcast_in_dim3A_8, %slice3A_7, %slice3A : vector<4096x32xi1>, vector<4096x32xf32>
    %eq3A_9 = arith.constant 2 : i32
    %eq3A_10 = vector.broadcast %eq3A_9 : i32 to vector<4096x1xi32>
    %eq3A_11 = arith.cmpi eq, %get3A_4, %eq3A_10 : vector<4096x1xi32>
    %slice3A_12 = vector.extract_strided_slice %get3A_1 {offsets = [0, 64], sizes = [4096, 32], strides = [1, 1]} : vector<4096x128xf32> to vector<4096x32xf32>
    %broadcast_in_dim3A_13 = vector.shape_cast %eq3A_11 : vector<4096x1xi1> to vector<4096x1xi1>
    %broadcast_in_dim3A_14 = vector.broadcast %broadcast_in_dim3A_13 : vector<4096x1xi1> to vector<4096x32xi1>
    %select_n3A_15 = arith.select %broadcast_in_dim3A_14, %slice3A_12, %select_n3A : vector<4096x32xi1>, vector<4096x32xf32>
    %eq3A_16 = arith.constant 3 : i32
    %eq3A_17 = vector.broadcast %eq3A_16 : i32 to vector<4096x1xi32>
    %eq3A_18 = arith.cmpi eq, %get3A_4, %eq3A_17 : vector<4096x1xi32>
    %slice3A_19 = vector.extract_strided_slice %get3A_1 {offsets = [0, 96], sizes = [4096, 32], strides = [1, 1]} : vector<4096x128xf32> to vector<4096x32xf32>
    %broadcast_in_dim3A_20 = vector.shape_cast %eq3A_18 : vector<4096x1xi1> to vector<4096x1xi1>
    %broadcast_in_dim3A_21 = vector.broadcast %broadcast_in_dim3A_20 : vector<4096x1xi1> to vector<4096x32xi1>
    %select_n3A_22 = arith.select %broadcast_in_dim3A_21, %slice3A_19, %select_n3A_15 : vector<4096x32xi1>, vector<4096x32xf32>
    %swap3A = arith.constant 0 : index
    %swap3A_23 = arith.constant 0 : index
    %swap3A_24 = vector.load %arg13[%swap3A, %swap3A_23] : memref<4096x32xf32, #tpu.memory_space<vmem>>, vector<4096x32xf32>
    tpu.vector_store %arg13[%swap3A, %swap3A_23], %select_n3A_22 {strides = array<i32>} : memref<4096x32xf32, #tpu.memory_space<vmem>>, vector<4096x32xf32>,
    %get3A_25 = arith.constant 0 : index
    %get3A_26 = arith.constant 0 : index
    %get3A_27 = vector.load %arg2[%get3A_25, %get3A_26] : memref<512x32xf32, #tpu.memory_space<vmem>>, vector<512x32xf32>
    %convert_element_type3A = arith.truncf %select_n3A_22 : vector<4096x32xf32> to vector<4096x32xbf16>
    %convert_element_type3A_28 = arith.truncf %get3A_27 : vector<512x32xf32> to vector<512x32xbf16>
    %dot_general3A = arith.constant dense<0.000000e+00> : vector<4096x512xf32>
    %dot_general3A_29 = tpu.matmul %convert_element_type3A, %convert_element_type3A_28, %dot_general3A {dimension_numbers = #tpu.dot_dimension_numbers<[1], [1], [0], [0], [0, 0, 1, 0], [], []>, transpose_lhs_hint = false} : vector<4096x32xbf16>, vector<512x32xbf16>, vector<4096x512xf32> -> vector<4096x512xf32>
    %get3A_30 = arith.constant 0 : index
    %get3A_31 = arith.constant 0 : index
    %get3A_32 = vector.load %arg3[%get3A_30, %get3A_31] : memref<1x512xf32, #tpu.memory_space<vmem>>, vector<1x512xf32>
    %add3A = vector.broadcast %get3A_32 : vector<1x512xf32> to vector<4096x512xf32>
    %add3A_33 = arith.addf %dot_general3A_29, %add3A : vector<4096x512xf32>
    %get3A_34 = arith.constant 0 : index
    %get3A_35 = arith.constant 0 : index
    %get3A_36 = vector.load %arg4[%get3A_34, %get3A_35] : memref<1x512xf32, #tpu.memory_space<vmem>>, vector<1x512xf32>
    %get3A_37 = arith.constant 0 : index
    %get3A_38 = arith.constant 0 : index
    %get3A_39 = vector.load %arg5[%get3A_37, %get3A_38] : memref<1x512xf32, #tpu.memory_space<vmem>>, vector<1x512xf32>
    %reduce_sum3A = arith.constant dense<0.000000e+00> : vector<512xf32>
    %reduce_sum3A_40 = vector.multi_reduction <add>, %add3A_33, %reduce_sum3A [0] : vector<4096x512xf32> to vector<512xf32>
    %broadcast_in_dim3A_41 = vector.shape_cast %reduce_sum3A_40 : vector<512xf32> to vector<1x512xf32>
    %div3A = arith.constant 4.096000e+03 : f32
    %div3A_42 = vector.broadcast %div3A : f32 to vector<1x512xf32>
    %div3A_43 = arith.divf %broadcast_in_dim3A_41, %div3A_42 : vector<1x512xf32>
    %sub3A = vector.broadcast %div3A_43 : vector<1x512xf32> to vector<4096x512xf32>
    %sub3A_44 = arith.subf %add3A_33, %sub3A : vector<4096x512xf32>
    %integer_pow3A = arith.mulf %sub3A_44, %sub3A_44 : vector<4096x512xf32>
    %reduce_sum3A_45 = arith.constant dense<0.000000e+00> : vector<512xf32>
    %reduce_sum3A_46 = vector.multi_reduction <add>, %integer_pow3A, %reduce_sum3A_45 [0] : vector<4096x512xf32> to vector<512xf32>
    %broadcast_in_dim3A_47 = vector.shape_cast %reduce_sum3A_46 : vector<512xf32> to vector<1x512xf32>
    %div3A_48 = arith.constant 4.096000e+03 : f32
    %div3A_49 = vector.broadcast %div3A_48 : f32 to vector<1x512xf32>
    %div3A_50 = arith.divf %broadcast_in_dim3A_47, %div3A_49 : vector<1x512xf32>
    %sub3A_51 = vector.broadcast %div3A_43 : vector<1x512xf32> to vector<4096x512xf32>
    %sub3A_52 = arith.subf %add3A_33, %sub3A_51 : vector<4096x512xf32>
    %mul3A = vector.broadcast %get3A_36 : vector<1x512xf32> to vector<4096x512xf32>
    %mul3A_53 = arith.mulf %mul3A, %sub3A_52 : vector<4096x512xf32>
    %add3A_54 = arith.constant 9.99999974E-6 : f32
    %add3A_55 = vector.broadcast %add3A_54 : f32 to vector<1x512xf32>
    %add3A_56 = arith.addf %div3A_50, %add3A_55 : vector<1x512xf32>
    %sqrt3A = math.sqrt %add3A_56 : vector<1x512xf32>
    %div3A_57 = vector.broadcast %sqrt3A : vector<1x512xf32> to vector<4096x512xf32>
    %div3A_58 = arith.divf %mul3A_53, %div3A_57 : vector<4096x512xf32>
    %add3A_59 = vector.broadcast %get3A_39 : vector<1x512xf32> to vector<4096x512xf32>
    %add3A_60 = arith.addf %div3A_58, %add3A_59 : vector<4096x512xf32>
    %max3A = arith.constant 0.000000e+00 : f32
    %max3A_61 = vector.broadcast %max3A : f32 to vector<4096x512xf32>
    %max3A_62 = arith.maximumf %add3A_60, %max3A_61 : vector<4096x512xf32>
    %get3A_63 = arith.constant 0 : index
    %get3A_64 = arith.constant 0 : index
    %get3A_65 = vector.load %arg6[%get3A_63, %get3A_64] : memref<512x512xf32, #tpu.memory_space<vmem>>, vector<512x512xf32>
    %convert_element_type3A_66 = arith.truncf %max3A_62 : vector<4096x512xf32> to vector<4096x512xbf16>
    %convert_element_type3A_67 = arith.truncf %get3A_65 : vector<512x512xf32> to vector<512x512xbf16>
    %dot_general3A_68 = arith.constant dense<0.000000e+00> : vector<4096x512xf32>
    %dot_general3A_69 = tpu.matmul %convert_element_type3A_66, %convert_element_type3A_67, %dot_general3A_68 {dimension_numbers = #tpu.dot_dimension_numbers<[1], [1], [0], [0], [0, 0, 1, 0], [], []>, transpose_lhs_hint = false} : vector<4096x512xbf16>, vector<512x512xbf16>, vector<4096x512xf32> -> vector<4096x512xf32>
    %get3A_70 = arith.constant 0 : index
    %get3A_71 = arith.constant 0 : index
    %get3A_72 = vector.load %arg7[%get3A_70, %get3A_71] : memref<1x512xf32, #tpu.memory_space<vmem>>, vector<1x512xf32>
    %add3A_73 = vector.broadcast %get3A_72 : vector<1x512xf32> to vector<4096x512xf32>
    %add3A_74 = arith.addf %dot_general3A_69, %add3A_73 : vector<4096x512xf32>
    %get3A_75 = arith.constant 0 : index
    %get3A_76 = arith.constant 0 : index
    %get3A_77 = vector.load %arg8[%get3A_75, %get3A_76] : memref<1x512xf32, #tpu.memory_space<vmem>>, vector<1x512xf32>
    %get3A_78 = arith.constant 0 : index
    %get3A_79 = arith.constant 0 : index
    %get3A_80 = vector.load %arg9[%get3A_78, %get3A_79] : memref<1x512xf32, #tpu.memory_space<vmem>>, vector<1x512xf32>
    %reduce_sum3A_81 = arith.constant dense<0.000000e+00> : vector<512xf32>
    %reduce_sum3A_82 = vector.multi_reduction <add>, %add3A_74, %reduce_sum3A_81 [0] : vector<4096x512xf32> to vector<512xf32>
    %broadcast_in_dim3A_83 = vector.shape_cast %reduce_sum3A_82 : vector<512xf32> to vector<1x512xf32>
    %div3A_84 = arith.constant 4.096000e+03 : f32
    %div3A_85 = vector.broadcast %div3A_84 : f32 to vector<1x512xf32>
    %div3A_86 = arith.divf %broadcast_in_dim3A_83, %div3A_85 : vector<1x512xf32>
    %sub3A_87 = vector.broadcast %div3A_86 : vector<1x512xf32> to vector<4096x512xf32>
    %sub3A_88 = arith.subf %add3A_74, %sub3A_87 : vector<4096x512xf32>
    %integer_pow3A_89 = arith.mulf %sub3A_88, %sub3A_88 : vector<4096x512xf32>
    %reduce_sum3A_90 = arith.constant dense<0.000000e+00> : vector<512xf32>
    %reduce_sum3A_91 = vector.multi_reduction <add>, %integer_pow3A_89, %reduce_sum3A_90 [0] : vector<4096x512xf32> to vector<512xf32>
    %broadcast_in_dim3A_92 = vector.shape_cast %reduce_sum3A_91 : vector<512xf32> to vector<1x512xf32>
    %div3A_93 = arith.constant 4.096000e+03 : f32
    %div3A_94 = vector.broadcast %div3A_93 : f32 to vector<1x512xf32>
    %div3A_95 = arith.divf %broadcast_in_dim3A_92, %div3A_94 : vector<1x512xf32>
    %sub3A_96 = vector.broadcast %div3A_86 : vector<1x512xf32> to vector<4096x512xf32>
    %sub3A_97 = arith.subf %add3A_74, %sub3A_96 : vector<4096x512xf32>
    %mul3A_98 = vector.broadcast %get3A_77 : vector<1x512xf32> to vector<4096x512xf32>
    %mul3A_99 = arith.mulf %mul3A_98, %sub3A_97 : vector<4096x512xf32>
    %add3A_100 = arith.constant 9.99999974E-6 : f32
    %add3A_101 = vector.broadcast %add3A_100 : f32 to vector<1x512xf32>
    %add3A_102 = arith.addf %div3A_95, %add3A_101 : vector<1x512xf32>
    %sqrt3A_103 = math.sqrt %add3A_102 : vector<1x512xf32>
    %div3A_104 = vector.broadcast %sqrt3A_103 : vector<1x512xf32> to vector<4096x512xf32>
    %div3A_105 = arith.divf %mul3A_99, %div3A_104 : vector<4096x512xf32>
    %add3A_106 = vector.broadcast %get3A_80 : vector<1x512xf32> to vector<4096x512xf32>
    %add3A_107 = arith.addf %div3A_105, %add3A_106 : vector<4096x512xf32>
    %max3A_108 = arith.constant 0.000000e+00 : f32
    %max3A_109 = vector.broadcast %max3A_108 : f32 to vector<4096x512xf32>
    %max3A_110 = arith.maximumf %add3A_107, %max3A_109 : vector<4096x512xf32>
    %get3A_111 = arith.constant 0 : index
    %get3A_112 = arith.constant 0 : index
    %get3A_113 = vector.load %arg10[%get3A_111, %get3A_112] : memref<256x512xf32, #tpu.memory_space<vmem>>, vector<256x512xf32>
    %convert_element_type3A_114 = arith.truncf %max3A_110 : vector<4096x512xf32> to vector<4096x512xbf16>
    %convert_element_type3A_115 = arith.truncf %get3A_113 : vector<256x512xf32> to vector<256x512xbf16>
    %dot_general3A_116 = arith.constant dense<0.000000e+00> : vector<4096x256xf32>
    %dot_general3A_117 = tpu.matmul %convert_element_type3A_114, %convert_element_type3A_115, %dot_general3A_116 {dimension_numbers = #tpu.dot_dimension_numbers<[1], [1], [0], [0], [0, 0, 1, 0], [], []>, transpose_lhs_hint = false} : vector<4096x512xbf16>, vector<256x512xbf16>, vector<4096x256xf32> -> vector<4096x256xf32>
    %get3A_118 = arith.constant 0 : index
    %get3A_119 = arith.constant 0 : index
    %get3A_120 = vector.load %arg11[%get3A_118, %get3A_119] : memref<1x256xf32, #tpu.memory_space<vmem>>, vector<1x256xf32>
    %add3A_121 = vector.broadcast %get3A_120 : vector<1x256xf32> to vector<4096x256xf32>
    %add3A_122 = arith.addf %dot_general3A_117, %add3A_121 : vector<4096x256xf32>
    %swap3A_123 = arith.constant 0 : index
    %swap3A_124 = arith.constant 0 : index
    %swap3A_125 = vector.load %arg12[%swap3A_123, %swap3A_124] : memref<4096x256xf32, #tpu.memory_space<vmem>>, vector<4096x256xf32>
    tpu.vector_store %arg12[%swap3A_123, %swap3A_124], %add3A_122 {strides = array<i32>} : memref<4096x256xf32, #tpu.memory_space<vmem>>, vector<4096x256xf32>,
    return
  }
}

</mosaic_0001>

<sc_bundles>
// kernel: kernel.6.cloned.1.call-start
scs
__scs_entry_jumppad:
0x0: {  	(pc) =	sbr.rel $0x88, $3  }
0x1: {  	(tag) =	ssettag $0x0;
	lr =	simm.s32 $0x1  }
0x2: {  	[smem:$0x3F8B] =	sst lr;
	_ =	strace $0xD0000000  }
0x3: {  	_ = 	snop  }
0x4: {  	_ = 	snop  }
0x5: {  	_ = 	snop  }
0x6: {  	_ = 	snop  }
0x7: {  	_ = 	snop  }
__scs_overlays_trampoline_lowered:
0x8: {  	[smem:$0x3F9A] =	sst s0  }
0x9: {  	[smem:$0x3F9B] =	sst s1  }
0xa: {  	[smem:$0x3F9C] =	sst s2  }
0xb: {  	[smem:$0x3F9D] =	sst s3  }
0xc: {  	[smem:$0x3F9E] =	sst s4  }
0xd: {  	[smem:$0x3F9F] =	sst s5  }
0xe: {  	[smem:$0x3FA0] =	sst s6  }
0xf: {  	[smem:$0x3FA1] =	sst s7  }
0x10: {  	[smem:$0x3FA2] =	sst s8  }
0x11: {  	[smem:$0x3FA3] =	sst s9;
	s0 =	simm.s32 @!p0 $0x0  }
0x12: {  	s1 =	sld [smem:$0x3F89];
	s0 =	simm.s32 @p0 $0x1  }
0x13: {  	[smem:$0x3FA4] =	sst s0;
	s0 =	simm.s32 @!p1 $0x0  }
0x14: {  	s2 =	sld [smem:$0x3F88];
	s0 =	simm.s32 @p1 $0x1  }
0x15: {  	[smem:$0x3FA5] =	sst s0;
	s0 =	simm.s32 @!p2 $0x0  }
0x16: {  	s3 =	sld [smem:$0x3FDB];
	s0 =	simm.s32 @p2 $0x1  }
0x17: {  	s4 =	simm.s32 $0x1BF5;
	[smem:$0x3FA7] =	sst s0  }
0x18: {  	s0 =	sld [smem:$0x3F8A];
	_ =	swait.ge [sflag:s4], $0x0  }
0x19: {  	s7 =	sld [smem:$0x3F8B]  }
0x1a: {  	s8 =	sadd.s32 $0xFFFFE003, lr  }
0x1b: {  	s9 =	sadd.s32 $0xFFFFFEF7, lr;
	s5 =	simm.s32 $0xFFFFFFFF;
	p2 =	slt.u32 s8, $0xFFFFF086  }
0x1c: {  	p1 =	slt.u32 s9, $0xF7A;
	s5 =	simm.s32 @!p2 $0x0  }
0x1d: {  	s5 =	simm.s32 @p1 $0x1;
	p0 =	seq.s32 s7, s2  }
0x1e: {  	s7 =	smul.u32 @!p0 $0xF7A, s2;
	p2 =	seq.s32 @!p0 s5, $0x0  }
0x1f: {  	s9 =	smul.u32 $0xF7A, s1;
	s8 =	simm.s32 @!p0 $0x1BF5;
	p2 =	por !p2, p0  }
0x20: {  	[sflag:s8] =	ssyncset.s32 @!p0 $0xFFFFF086;
	s6 =	sadd.s32 @!p0 s3, s7;
	s7 =	simm.s32 @!p0 $0x108  }
0x21: {  	s3 =	sadd.s32 s3, s9;
	s6 =	sadd.s32 @!p0 $0x88, s6;
	s7 =	simm.s32 @p2 $0x1082  }
0x22: {  	[simem:s7], [sflag:s8] =	dma.local @!p0 [hbm:s6], $0xF7A  }
0x23: {  	s9 =	sor.u32 $0xD0000000, s2;
	s6 =	simm.s32 $0x108;
	_ =	swait.ge @!p0 [sflag:s8], $0x0  }
0x24: {  	s3 =	sadd.s32 $0x88, s3;
	s6 =	simm.s32 @!p1 $0x1082;
	[sflag:s4] =	ssyncset.s32 $0xFFFFF086  }
0x25: {  	[simem:s6], [sflag:s4] =	dma.local [hbm:s3], $0xF7A  }
0x26: {  	[smem:$0x3F8B] =	sst s1;
	(tag) =	ssettag s2;
	_ =	strace s9  }
0x27: {  	s1 =	sld [smem:$0x3F9B]  }
0x28: {  	s2 =	sld [smem:$0x3F9C]  }
0x29: {  	s4 =	sld [smem:$0x3F9E]  }
0x2a: {  	p0 =	seq.s32 s5, $0x0;
	s5 =	sld [smem:$0x3F9F]  }
0x2b: {  	s6 =	sld [smem:$0x3FA0]  }
0x2c: {  	s7 =	sld [smem:$0x3FA1]  }
0x2d: {  	s3 =	simm.s32 $0x108;
	s8 =	sld [smem:$0x3FA2]  }
0x2e: {  	s3 =	simm.s32 @!p0 $0x1082;
	s9 =	sld [smem:$0x3FA3]  }
0x2f: {  	lr =	sadd.s32 s0, s3;
	s0 =	sld [smem:$0x3F9A]  }
0x30: {  	s3 =	sld [smem:$0x3F9D]  }
0x31: {  	[smem:$0x3FA6] =	sst s10  }
0x32: {  	s10 =	sld [smem:$0x3FA4];
	_ =	sdelay $0x3  }
0x33: {  	p0 =	seq.s32 s10, $0x1;
	s10 =	sld [smem:$0x3FA6];
	_ =	sdelay $0x3  }
0x34: {  	[smem:$0x3FA6] =	sst s10  }
0x35: {  	s10 =	sld [smem:$0x3FA5];
	_ =	sdelay $0x3  }
0x36: {  	p1 =	seq.s32 s10, $0x1;
	s10 =	sld [smem:$0x3FA6];
	_ =	sdelay $0x3  }
0x37: {  	[smem:$0x3FA6] =	sst s10  }
0x38: {  	s10 =	sld [smem:$0x3FA7]  }
0x39: {  	_ = 	snop;
	(pc) =	sbr.ind lr, $3  }
0x3a: {  	_ = 	snop  }
0x3b: {  	_ = 	snop  }
0x3c: {  	p2 =	seq.s32 s10, $0x1;
	s10 =	sld [smem:$0x3FA6]  }
0x3d: {  	_ =	shalt  }
0x3e: {  	_ =	shalt  }
0x3f: {  	_ =	shalt  }
0x40: {  	_ =	shalt  }
0x41: {  	_ =	shalt  }
0x42: {  	_ =	shalt  }
0x43: {  	_ =	shalt  }
0x44: {  	_ =	shalt  }
0x45: {  	_ =	shalt  }
0x46: {  	_ =	shalt  }
0x47: {  	_ =	shalt  }
0x48: {  	_ =	shalt  }
0x49: {  	_ =	shalt  }
0x4a: {  	_ =	shalt  }
0x4b: {  	_ =	shalt  }
0x4c: {  	_ =	shalt  }
0x4d: {  	_ =	shalt  }
0x4e: {  	_ =	shalt  }
0x4f: {  	_ =	shalt  }
0x50: {  	_ =	shalt  }
0x51: {  	_ =	shalt  }
0x52: {  	_ =	shalt  }
0x53: {  	_ =	shalt  }
0x54: {  	_ =	shalt  }
0x55: {  	_ =	shalt  }
0x56: {  	_ =	shalt  }
0x57: {  	_ =	shalt  }
0x58: {  	_ =	shalt  }
0x59: {  	_ =	shalt  }
0x5a: {  	_ =	shalt  }
0x5b: {  	_ =	shalt  }
0x5c: {  	_ =	shalt  }
0x5d: {  	_ =	shalt  }
0x5e: {  	_ =	shalt  }
0x5f: {  	_ =	shalt  }
0x60: {  	_ =	shalt  }
0x61: {  	_ =	shalt  }
0x62: {  	_ =	shalt  }
0x63: {  	_ =	shalt  }
0x64: {  	_ =	shalt  }
0x65: {  	_ =	shalt  }
0x66: {  	_ =	shalt  }
0x67: {  	_ =	shalt  }
0x68: {  	_ =	shalt  }
0x69: {  	_ =	shalt  }
0x6a: {  	_ =	shalt  }
0x6b: {  	_ =	shalt  }
0x6c: {  	_ =	shalt  }
0x6d: {  	_ =	shalt  }
0x6e: {  	_ =	shalt  }
0x6f: {  	_ =	shalt  }
0x70: {  	_ =	shalt  }
0x71: {  	_ =	shalt  }
0x72: {  	_ =	shalt  }
0x73: {  	_ =	shalt  }
0x74: {  	_ =	shalt  }
0x75: {  	_ =	shalt  }
0x76: {  	_ =	shalt  }
0x77: {  	_ =	shalt  }
0x78: {  	_ =	shalt  }
0x79: {  	_ =	shalt  }
0x7a: {  	_ =	shalt  }
0x7b: {  	_ =	shalt  }
0x7c: {  	_ =	shalt  }
0x7d: {  	_ =	shalt  }
0x7e: {  	_ =	shalt  }
0x7f: {  	_ =	shalt  }
0x80: {  	_ =	shalt  }
0x81: {  	_ =	shalt  }
0x82: {  	_ =	shalt  }
0x83: {  	_ =	shalt  }
0x84: {  	_ =	shalt  }
0x85: {  	_ =	shalt  }
0x86: {  	_ =	shalt  }
0x87: {  	_ =	shalt  }
.Lfunc_end0:
.L_simem_size_0:
called_computation_lowered:
.L_overlay_start_0:
0x88: {  	s2 =	sld [smem:$0x3FD9]  }
0x89: {  	s3 =	sld [smem:$0x3FFE];
	_ =	sdelay $0x1  }
0x8a: {  	s1 =	srdreg.scid  }
0x8b: {  	s0 =	sand.u32 $0x1, s1  }
0x8c: {  	s14 =	sshll.u32 s0, $0xA;
	s2 =	sadd.s32 s3, s2  }
0x8d: {  	s2 =	sadd.s32 s2, s14  }
0x8e: {  	[smem:$0x3FB2] =	sst s2  }
0x8f: {  	_ = 	snop  }
0x90: {  	s2 =	sld [smem:$0x3FD0];
	_ =	sdelay $0x2  }
0x91: {  	s15 =	simm.s32 $0xA;
	s4 =	simm.s32 $0x10  }
0x92: {  	[smem:s4], [sflag:s15] =	dma.local [hbm:s2], $0x1  }
0x93: {  	_ =	swait.eq [sflag:s15], $0x1  }
0x94: {  	[sflag:s15] =	ssyncset.done $0x0  }
0x95: {  	s16 =	sld [smem:$0x10];
	[sflag:s15] =	ssyncadd.s32 $0xFFFFFFFF  }
0x96: {  	s17 =	sld [smem:$0x12];
	(tm) =	ssettm $0x1  }
0x97: {  	s18 =	sld [smem:$0x3FFB];
	_ =	sdelay $0x3  }
0x98: {  	_ =	strace s18  }
0x99: {  	s4 =	sld [smem:$0x3FFC];
	_ =	sdelay $0x3  }
0x9a: {  	_ =	strace s4  }
0x9b: {  	s4 =	sld [smem:$0x3FFD];
	_ =	sdelay $0x3  }
0x9c: {  	_ =	strace s4  }
0x9d: {  	_ =	strace $0x8FFFFFFF  }
0x9e: {  	s19 =	sld [smem:$0x3FDB];
	_ =	sdelay $0x1  }
0x9f: {  	s5 =	simm.s32 $_scs_section_size  }
0xa0: {  	s6 =	simm.s32 $_size__tile_overlayer_lowered;
	s7 =	simm.s32 $_tile_overlayer_lowered  }
0xa1: {  	s22 =	simm.s32 $0x1BFF;
	s21 =	sshll.u32 s7, $0x1;
	s4 =	sadd.s32 s5, s19  }
0xa2: {  	s8 =	simm.s32 $0x0;
	s20 =	sshll.u32 s6, $0x1;
	s6 =	sadd.s32 s21, s4  }
0xa3: {  	[timem:s8], [sflag:s22] =	dma.local [hbm:s6], s20  }
0xa4: {  	_ =	swait.ge [sflag:s22], s20  }
0xa5: {  	s5 =	ssub.s32 $0x0, s20;
	[sflag:s22] =	ssyncset.done $0x0  }
0xa6: {  	[sflag:s22] =	ssyncadd.s32 s5;
	_ =	sdelay $0x1  }
0xa7: {  	s23 =	simm.s32 $0x1B8B  }
0xa8: {  	_ =	swait.ge [sflag:s23], $0x1  }
0xa9: {  	[sflag:s23] =	ssyncset.done $0x0  }
0xaa: {  	s25 =	simm.s32 $0x1B8E;
	s24 =	sld [smem:$0x3FFE];
	[sflag:s23] =	ssyncadd.s32 $0xFFFFFFFF  }
0xab: {  	s26 =	simm.s32 $execute0_lowered;
	[smem:$0x3FD2] =	sst s25  }
0xac: {  	s6 =	sshll.u32 s26, $0x1;
	_ =	strace $0x80000046;
	[dreg:$0x1] =	wrdreg $0xFFFFFFFF  }
0xad: {  	s28 =	simm.s32 $_size_execute0_lowered;
	s4 =	sadd.s32 s4, s6;
	[dreg:$0x0] =	wrdreg $0x0  }
0xae: {  	s6 =	sshll.u32 s28, $0x1;
	[dreg:$0x2] =	wrdreg s4  }
0xaf: {  	[dreg:$0x3] =	wrdreg s6  }
0xb0: {  	[dreg:$0x4] =	wrdreg $0xC0  }
0xb1: {  	_ =	task [dreg:s8], $0x5FFFF  }
0xb2: {  	[dreg:$0x1] =	wrdreg $0xFFFFFFFF  }
0xb3: {  	[dreg:$0x0] =	wrdreg $0x60  }
0xb4: {  	[dreg:$0x2] =	wrdreg s24  }
0xb5: {  	[dreg:$0x3] =	wrdreg s17  }
0xb6: {  	[dreg:$0x4] =	wrdreg s16  }
0xb7: {  	[dreg:$0x5] =	wrdreg $0x9  }
0xb8: {  	_ =	task.clear_ibuf [dreg:s8], $0x6FFFF;
	_ =	strace $0x90000046  }
0xb9: {  	s29 =	simm.s32 $0x9;
	_ =	strace $0x80000048  }
0xba: {  	_ =	swait.ge [sflag:s29], $0x1  }
0xbb: {  	[sflag:s29] =	ssyncadd.s32 $0xFFFFFFFF  }
0xbc: {  	_ =	strace $0x90000048  }
0xbd: {  	_ =	sfence  }
0xbe: {  	s30 =	sld [smem:$0x0];
	_ =	sdelay $0x2  }
0xbf: {  	s31 =	sshll.u32 s1, $0xD;
	s1 =	sshrl.u32 s1, $0x2  }
0xc0: {  	s3 =	sand.u32 $0x4000, s31;
	s1 =	sadd.s32 s1, s30  }
0xc1: {  	s0 =	sor.u32 s3, s0;
	s1 =	sshll.u32 s1, $0x11  }
0xc2: {  	s0 =	sor.u32 s1, s0  }
0xc3: {  	s0 =	sadd.s32 $0x8F2B, s0  }
0xc4: {  	[sflag:s0] =	ssyncadd.remote.s32 $0x1  }
0xc5: {  	_ =	sfence.sel $0xFFFF  }
0xc6: {  	[dreg:$0x0] =	wrdreg $0xFFFFFFFF;
	(pc) =	sbr.abs _section_cstart, $3  }
0xc7: {  	[dreg:$0x1] =	wrdreg $0xFFFFFFFF  }
0xc8: {  	_ =	task.clear_ibuf [dreg:s8], $0x2FFFF;
	_ =	strace $0x9FFFFFFF  }
0xc9: {  	(tm) =	ssettm $0x7FFFFFFF  }
tec
execute0_lowered:
.L_overlay_start_1:
0x0: {  	(tag) =	ssettag $0x1  }
0x1: {  	s5 =	rddreg [dreg:$0x0]  }
0x2: {  	s1 =	srdreg.scid;
	s3 =	rddreg [dreg:$0x1]  }
0x3: {  	s0 =	stileid.u32;
	s8 =	rddreg [dreg:$0x2];
	s6 =	sand.u32 $0x1, s1  }
0x4: {  	s2 =	simm.s32 $0x0;
	s4 =	sshll.u32 s0, $0x8;
	s7 =	sshll.u32 s6, $0x7  }
0x5: {  	[smem:$0x7FF] =	sst s2;
	s9 =	sor.u32 s7, s4  }
0x6: {  	s1 =	rddreg [dreg:$0x3];
	_ =	strace $0x80000047;
	s4 =	sshrl.u32 s9, $0x3  }
0x7: {  	s10 =	ssub.s32 $0x2, s6;
	s4 =	sadd.s32 s3, s4;
	s3 =	simm.s32 $0x2  }
0x8: {  	[tilespmem:s2], [sflag:$0x2] =	stream.linear.gather [hbm4b:s4+s2], $0x80, $0x38;
	[tilespmem:$0x4080] =	vst v63  }
0x9: {  	s5 =	sadd.s32 $0x3200, s5;
	s11 =	sshrl.u32 s10, $0x1;
	_ =	swait.ge [sflag:s3], $0x80  }
0xa: {  	s6 =	simm.s32 $0x80;
	s10 =	ssub.s32 s10, s11;
	[sflag:s3] =	ssyncset.done $0x0  }
0xb: {  	s7 =	simm.s32 $0x1;
	s31 =	smax.u32 s10, $0x1;
	[sflag:s3] =	ssyncadd.s32 $0xFFFFFF80  }
0xc: {  	[tilespmem:s6], [sflag:$0x1] =	stream.indirect.gather [hbm4b:s5+s6], $0x80, s2, s6, $0xb8;
	[tilespmem:$0x4080] =	vst v63  }
0xd: {  	p0 =	sne.s32 s31, $0x1;
	_ =	swait.ge [sflag:s7], $0x4000  }
.Ltmp0:
0xe: {  	s9 =	sshll.u32 s9, $0x4;
	[sflag:s7] =	ssyncset.done $0x0;
	(pc) =	sbr.rel @!p0 .LBB2_2-.Ltmp0, $4  }
0xf: {  	s8 =	sadd.s32 s8, s9;
	[sflag:s7] =	ssyncadd.s32 $0xFFFFC000  }
0x10: {  	[hbm4b:s8+s2] =	stream.linear.scatter [tilespmem:s6], [sflag:$0x2], $0x4000, $0x38;
	[tilespmem:$0x4080] =	vst v63  }
0x11: {  	_ =	swait.ge [sflag:s3], $0x4000  }
0x12: {  	s9 =	sadd.s32 $0xFFFFFFFF, s31;
	[sflag:s3] =	ssyncset.done $0x0  }
.LBB2_1:
0x13: {  	p0 =	sne.s32 s9, $0x1;
	s9 =	sadd.s32 $0xFFFFFFFF, s9;
	[sflag:s3] =	ssyncadd.s32 $0xFFFFC000  }
0x14: {  	[tilespmem:s2], [sflag:$0x2] =	stream.linear.gather [hbm4b:s4+s2], $0x80, $0x38;
	[tilespmem:$0x4080] =	vst v63  }
0x15: {  	_ =	swait.ge [sflag:s3], $0x80  }
0x16: {  	[sflag:s3] =	ssyncset.done $0x0  }
0x17: {  	[sflag:s3] =	ssyncadd.s32 $0xFFFFFF80  }
0x18: {  	[tilespmem:s6], [sflag:$0x1] =	stream.indirect.gather [hbm4b:s5+s6], $0x80, s2, s6, $0xb8;
	[tilespmem:$0x4080] =	vst v63  }
0x19: {  	_ =	swait.ge [sflag:s7], $0x4000  }
.Ltmp1:
0x1a: {  	[sflag:s7] =	ssyncset.done $0x0;
	(pc) =	sbr.rel @p0 .LBB2_1-.Ltmp1, $4  }
0x1b: {  	[sflag:s7] =	ssyncadd.s32 $0xFFFFC000  }
0x1c: {  	[hbm4b:s8+s2] =	stream.linear.scatter [tilespmem:s6], [sflag:$0x2], $0x4000, $0x38;
	[tilespmem:$0x4080] =	vst v63  }
0x1d: {  	_ =	swait.ge [sflag:s3], $0x4000  }
0x1e: {  	[sflag:s3] =	ssyncset.done $0x0  }
.LBB2_2:
0x1f: {  	[sflag:s3] =	ssyncadd.s32 $0xFFFFC000  }
0x20: {  	_ =	sfence.sel $0x180000  }
0x21: {  	[bflag:$0x0] =	sbarrier.arrive $0xFFFF  }
0x22: {  	p0 =	sne.s32 s0, $0x0;
	_ =	strace $0x90000047  }
0x23: {  	s0 =	sadd.s32 @!p0 $0x100000, s1;
	[bflag:$0x2] =	sbarrier.arrive $0xFFFF  }
0x24: {  	[sflag:s0] =	ssyncadd.tile.s32 @!p0 $0x1;
	_ =	shalt  }
.Lfunc_end2:
_tile_overlayer_lowered:
.L_overlay_start_2:
0x25: {  	(tag) =	ssettag $0x2  }
0x26: {  	s0 =	rddreg [dreg:$0x0];
	s2 =	stileid.u32  }
0x27: {  	s1 =	rddreg [dreg:$0x1];
	p0 =	sne.s32 s2, $0x0  }
0x28: {  	s3 =	rddreg [dreg:$0x2];
	[bflag:$0x3] =	sbarrier.arrive $0xFFFF;
	s2 =	simm.s32 @!p0 $0x1C02  }
0x29: {  	[timem:s3], [sflag:s2] =	dma.local @!p0 [hbm:s0], s1  }
0x2a: {  	s0 =	simm.s32 @!p0 $0x2  }
0x2b: {  	_ =	swait.ge @!p0 [sflag:s0], s1  }
0x2c: {  	s1 =	ssub.s32 @!p0 $0x0, s1;
	[sflag:s0] =	ssyncset.done @!p0 $0x0  }
0x2d: {  	[sflag:s0] =	ssyncadd.s32 @!p0 s1  }
0x2e: {  	[bflag:$0x3] =	sbarrier.arrive $0xFFFF  }
0x2f: {  	_ =	shalt  }

</sc_bundles>
